<compile_context>
chip_gen: v7x
topology: tpu7x:2x2x1
jax: 0.10.2.dev20260603
libtpu: 0.0.44.dev20260713+nightly
codegen_flags: <defaults>
</compile_context>

<pallas_src>
import functools

import jax
import jax.numpy as jnp
from jax import lax
from jax.experimental import pallas as pl
from jax.experimental.pallas import tpu as pltpu
from jax.experimental.pallas import tpu_sc as plsc

T = 2048
D = 768
F = 2048
NE = 8
TOPK = 2
BLK = 128
NB = T * TOPK // BLK + NE
NR = NB * BLK
AUXC = 0.01

NC = 2
NS = 16
NW = NC * NS
A_PER_W = T * TOPK // NW
T_PER_W = T // NW


def _excl_cumsum_ax0(s):
    c = s
    sh = 1
    n = s.shape[0]
    while sh < n:
        z = jnp.zeros((sh, s.shape[1]), s.dtype)
        c = c + jnp.concatenate([z, c[: n - sh, :]], axis=0)
        sh *= 2
    return c - s


def _excl_cumsum_ax1(v):
    c = v
    sh = 1
    n = v.shape[1]
    while sh < n:
        z = jnp.zeros((v.shape[0], sh), v.dtype)
        c = c + jnp.concatenate([z, c[:, : n - sh]], axis=1)
        sh *= 2
    return c - v


def _router_body(x_ref, wr_ref, dst_ref, tw_ref, blk_ref, aux_ref):
    xv = x_ref[...]
    wr = wr_ref[...]
    logits = lax.dot_general(xv, wr, (((1,), (1,)), ((), ())),
                             preferred_element_type=jnp.float32)
    m = jnp.max(logits, axis=-1, keepdims=True)
    el = jnp.exp(logits - m)
    probs = el / jnp.sum(el, axis=-1, keepdims=True)
    iota = lax.broadcasted_iota(jnp.int32, (T, NE), 1)
    m1 = jnp.max(probs, axis=-1, keepdims=True)
    i1 = jnp.min(jnp.where(probs == m1, iota, NE), axis=-1, keepdims=True)
    oh1 = iota == i1
    probs2 = jnp.where(oh1, -jnp.inf, probs)
    m2 = jnp.max(probs2, axis=-1, keepdims=True)
    i2 = jnp.min(jnp.where(probs2 == m2, iota, NE), axis=-1, keepdims=True)
    oh2 = iota == i2
    ssum = m1 + m2
    tw_ref[...] = jnp.concatenate([m1 / ssum, m2 / ssum], axis=1)

    oh1f = oh1.astype(jnp.float32)
    oh2f = oh2.astype(jnp.float32)
    assign = oh1f + oh2f
    prod = (jnp.sum(assign, axis=0, keepdims=True)
            * jnp.sum(probs, axis=0, keepdims=True))
    aux_ref[...] = (NE * AUXC / (T * T)) * jnp.sum(prod, axis=1, keepdims=True)

    c = _excl_cumsum_ax0(assign)
    rank1 = jnp.sum(c * oh1f, axis=-1, keepdims=True)
    rank2 = jnp.sum(c * oh2f, axis=-1, keepdims=True)
    counts = jnp.sum(assign, axis=0, keepdims=True)
    padded = jnp.floor((counts + (BLK - 1)) * (1.0 / BLK)) * BLK
    offs = _excl_cumsum_ax1(padded)
    off1 = jnp.sum(offs * oh1f, axis=-1, keepdims=True)
    off2 = jnp.sum(offs * oh2f, axis=-1, keepdims=True)
    dst_ref[...] = jnp.concatenate(
        [off1 + rank1, off2 + rank2], axis=1).astype(jnp.int32)

    ends = jnp.reshape(offs + padded, (NE, 1))
    bio = lax.broadcasted_iota(jnp.int32, (NE, 128), 1).astype(
        jnp.float32) * float(BLK)
    blk = jnp.sum((ends <= bio).astype(jnp.float32), axis=0, keepdims=True)
    blk_ref[...] = jnp.minimum(blk, NE - 1).astype(jnp.int32)


FT = 512


def _ffn_body(be_ref, xs_ref, wg_ref, wu_ref, wd_ref, yo_ref):
    xb = xs_ref[...]
    hg = jnp.dot(xb, wg_ref[0], preferred_element_type=jnp.float32)
    hu = jnp.dot(xb, wu_ref[0], preferred_element_type=jnp.float32)
    h = hg * jax.nn.sigmoid(hg) * hu
    part = jnp.dot(h, wd_ref[0], preferred_element_type=jnp.float32)

    @pl.when(pl.program_id(1) == 0)
    def _():
        yo_ref[...] = part

    @pl.when(pl.program_id(1) != 0)
    def _():
        yo_ref[...] += part


def _combine_body(a_ref, b_ref, tw_ref, y_ref):
    y_ref[...] = (tw_ref[:, 0:1] * a_ref[...] + tw_ref[:, 1:2] * b_ref[...])


@functools.cache
def _sc_kernels():
    vmesh = plsc.VectorSubcoreMesh(core_axis_name="c", subcore_axis_name="s")

    @functools.partial(
        pl.kernel, mesh=vmesh,
        out_type=jax.ShapeDtypeStruct((NR, D), jnp.float32),
        scratch_types=[
            pltpu.VMEM((A_PER_W,), jnp.int32),
            pltpu.VMEM((A_PER_W,), jnp.int32),
            pltpu.VMEM((A_PER_W, D), jnp.float32),
            pltpu.SemaphoreType.DMA,
        ])
    def sc_dispatch(x_hbm, dup_hbm, dst_hbm, xs_hbm, sidx_v, didx_v, rows_v, sem):
        wid = lax.axis_index("s") * NC + lax.axis_index("c")
        base = wid * A_PER_W
        pltpu.sync_copy(dup_hbm.at[pl.ds(base, A_PER_W)], sidx_v)
        pltpu.sync_copy(dst_hbm.at[pl.ds(base, A_PER_W)], didx_v)
        pltpu.async_copy(x_hbm.at[sidx_v], rows_v, sem).wait()
        pltpu.sync_copy(rows_v, xs_hbm.at[didx_v])

    @functools.partial(
        pl.kernel, mesh=vmesh,
        out_type=[jax.ShapeDtypeStruct((T, D), jnp.float32),
                  jax.ShapeDtypeStruct((T, D), jnp.float32)],
        scratch_types=[
            pltpu.VMEM((T_PER_W,), jnp.int32),
            pltpu.VMEM((T_PER_W, D), jnp.float32),
            pltpu.SemaphoreType.DMA,
        ])
    def sc_gather(yo_hbm, d0_hbm, d1_hbm, a_hbm, b_hbm, idx_v, rows_v, sem):
        wid = lax.axis_index("s") * NC + lax.axis_index("c")
        base = wid * T_PER_W
        pltpu.sync_copy(d0_hbm.at[pl.ds(base, T_PER_W)], idx_v)
        pltpu.async_copy(yo_hbm.at[idx_v], rows_v, sem).wait()
        pltpu.sync_copy(rows_v, a_hbm.at[pl.ds(base, T_PER_W)])
        pltpu.sync_copy(d1_hbm.at[pl.ds(base, T_PER_W)], idx_v)
        pltpu.async_copy(yo_hbm.at[idx_v], rows_v, sem).wait()
        pltpu.sync_copy(rows_v, b_hbm.at[pl.ds(base, T_PER_W)])

    return sc_dispatch, sc_gather


def kernel(x, Wr, Wg, Wu, Wd):
    b, s, d = x.shape
    xt = x.reshape(b * s, d)

    dst, topw, blk, aux = pl.pallas_call(
        _router_body,
        out_shape=[
            jax.ShapeDtypeStruct((T, TOPK), jnp.int32),
            jax.ShapeDtypeStruct((T, TOPK), jnp.float32),
            jax.ShapeDtypeStruct((1, 128), jnp.int32),
            jax.ShapeDtypeStruct((1, 1), jnp.float32),
        ],
    )(xt, Wr)

    sc_dispatch, sc_gather = _sc_kernels()
    dup = jnp.repeat(jnp.arange(T, dtype=jnp.int32), TOPK)
    xs = sc_dispatch(xt, dup, dst.reshape(-1))

    grid_spec = pltpu.PrefetchScalarGridSpec(
        num_scalar_prefetch=1,
        grid=(NB, F // FT),
        in_specs=[
            pl.BlockSpec((BLK, D), lambda i, f, be: (i, 0)),
            pl.BlockSpec((1, D, FT), lambda i, f, be: (be[i], 0, f)),
            pl.BlockSpec((1, D, FT), lambda i, f, be: (be[i], 0, f)),
            pl.BlockSpec((1, FT, D), lambda i, f, be: (be[i], f, 0)),
        ],
        out_specs=pl.BlockSpec((BLK, D), lambda i, f, be: (i, 0)),
    )
    yo = pl.pallas_call(
        _ffn_body,
        grid_spec=grid_spec,
        out_shape=jax.ShapeDtypeStruct((NR, D), jnp.float32),
    )(blk.reshape(-1), xs, Wg, Wu, Wd)

    a_g, b_g = sc_gather(yo, dst[:, 0], dst[:, 1])

    y = pl.pallas_call(
        _combine_body,
        grid=(T // 256,),
        in_specs=[
            pl.BlockSpec((256, D), lambda i: (i, 0)),
            pl.BlockSpec((256, D), lambda i: (i, 0)),
            pl.BlockSpec((256, TOPK), lambda i: (i, 0)),
        ],
        out_specs=pl.BlockSpec((256, D), lambda i: (i, 0)),
        out_shape=jax.ShapeDtypeStruct((T, D), jnp.float32),
    )(a_g, b_g, topw)

    return y.reshape(b, s, d), aux.reshape(())

# --- scband reference (transcript-rebuilt; emitter-appended) ---
"""Pipeline reference for scband-sonic-mo-eadapter-49185965473857 (READ-ONLY COPY).

The authoritative reference and input builder live on the scoring server;
editing this copy changes nothing except your own understanding.
"""

import jax, jax.numpy as jnp
import numpy as np

B = 1
S = 2048
D_MODEL = 768
D_FF = 2048
E = 8
TOP_K = 2
AUX_COEF = 0.01
STD = 0.02


def setup_inputs(seed: int = 0) -> dict:
    key = jax.random.key(seed)
    k1, k2, k3, k4, k5 = jax.random.split(key, 5)
    x = jax.random.normal(k1, (B, S, D_MODEL), dtype=jnp.float32)
    Wr = STD * jax.random.normal(k2, (E, D_MODEL), dtype=jnp.float32)
    Wg = STD * jax.random.normal(k3, (E, D_MODEL, D_FF), dtype=jnp.float32)
    Wu = STD * jax.random.normal(k4, (E, D_MODEL, D_FF), dtype=jnp.float32)
    Wd = STD * jax.random.normal(k5, (E, D_FF, D_MODEL), dtype=jnp.float32)
    return {"x": x, "Wr": Wr, "Wg": Wg, "Wu": Wu, "Wd": Wd}


def reference(x, Wr, Wg, Wu, Wd):
    b, s, d = x.shape
    T = b * s
    xt = x.reshape(T, d)
    # Router: softmax over experts, top-k selection, renormalized weights
    logits = xt @ Wr.T                                  # [T, E]
    probs = jax.nn.softmax(logits, axis=-1)             # [T, E]
    topw, topi = jax.lax.top_k(probs, TOP_K)            # [T, K]
    topw = topw / jnp.sum(topw, axis=-1, keepdims=True)
    # Combine weights g[T, E]: zero outside top-k (mathematically equivalent to sparse dispatch)
    g = jnp.zeros((T, E), dtype=x.dtype).at[jnp.arange(T)[:, None], topi].add(topw)
    # GLU expert FFN: down( silu(x @ Wg) * (x @ Wu) ) per expert
    h_gate = jnp.einsum('td,edf->tef', xt, Wg)          # [T, E, F]
    h_up = jnp.einsum('td,edf->tef', xt, Wu)            # [T, E, F]
    h = jax.nn.silu(h_gate) * h_up
    yo = jnp.einsum('tef,efd->ted', h, Wd)              # [T, E, D]
    y = jnp.einsum('te,ted->td', g, yo)                 # [T, D]
    # Switch-style load-balancing aux loss, scaled by aux_loss_coef
    assign = jax.nn.one_hot(topi, E, dtype=x.dtype).sum(axis=1)  # [T, E]
    f = assign.mean(axis=0)                             # fraction of assignments per expert
    P = probs.mean(axis=0)                              # mean router prob per expert
    aux = E * jnp.sum(f * P) * AUX_COEF
    return y.reshape(b, s, d), aux.astype(x.dtype)

if __name__ == "__main__":
    import jax
    _d = setup_inputs()
    print(jax.jit(kernel)(*tuple(_d.values())))

</pallas_src>

<mosaic_0001>
#map = affine_map<(d0, d1) -> (0, 0)>
#map1 = affine_map<(d0, d1) -> (0)>
module attributes {stable_mosaic.version = 14 : i64} {
  func.func @sc_dispatch(%arg0: i32, %arg1: i32, %arg2: memref<2048x768xf32, #tpu.memory_space<hbm>>, %arg3: memref<4096xi32, #tpu.memory_space<hbm>>, %arg4: memref<4096xi32, #tpu.memory_space<hbm>>, %arg5: memref<5120x768xf32, #tpu.memory_space<hbm>>, %arg6: memref<128xi32, #tpu.memory_space<vmem>>, %arg7: memref<128xi32, #tpu.memory_space<vmem>>, %arg8: memref<128x768xf32, #tpu.memory_space<vmem>>, %arg9: memref<!tpu.dma_semaphore, #tpu.memory_space<semaphore_mem>>) attributes {dimension_semantics = [#tpu.dimension_semantics<core_parallel>, #tpu.dimension_semantics<subcore_parallel>], iteration_bounds = array<i64: 2, 16>, scalar_prefetch = 0 : i64, scratch_operands = 4 : i64, tpu.core_type = #tpu.core_type<sc_vector_subcore>, window_params = [{transform_indices = #map}, {transform_indices = #map1}, {transform_indices = #map1}, {transform_indices = #map}]} {
    %mul3A = arith.constant 2 : i32
    %mul3A_0 = arith.muli %arg1, %mul3A : i32
    %add3A = arith.addi %mul3A_0, %arg0 : i32
    %mul3A_1 = arith.constant 128 : i32
    %mul3A_2 = arith.muli %add3A, %mul3A_1 : i32
    "tpu.region"() ({
      %run_scoped3A = tpu.sem_alloc : memref<!tpu.dma_semaphore, #tpu.memory_space<semaphore_mem>>
      %dma_start3A_7 = tpu.memref_slice %arg3[%mul3A_2] : memref<4096xi32, #tpu.memory_space<hbm>> -> memref<128xi32, #tpu.memory_space<hbm>>
      %dma_start3A_8 = tpu.memref_slice %arg3[%mul3A_2] : memref<4096xi32, #tpu.memory_space<hbm>> -> memref<128xi32, #tpu.memory_space<hbm>>
      tpu.enqueue_dma source(%dma_start3A_8 : memref<128xi32, #tpu.memory_space<hbm>>) target(%arg6 : memref<128xi32, #tpu.memory_space<vmem>>) target_semaphore(%run_scoped3A : memref<!tpu.dma_semaphore, #tpu.memory_space<semaphore_mem>>)
      %dma_wait3A_9 = tpu.memref_slice %arg3[%mul3A_2] : memref<4096xi32, #tpu.memory_space<hbm>> -> memref<128xi32, #tpu.memory_space<hbm>>
      %dma_wait3A_10 = tpu.memref_slice %arg3[%mul3A_2] : memref<4096xi32, #tpu.memory_space<hbm>> -> memref<128xi32, #tpu.memory_space<hbm>>
      tpu.wait_dma2 semaphore(%run_scoped3A : memref<!tpu.dma_semaphore, #tpu.memory_space<semaphore_mem>>) src(%dma_wait3A_10 : memref<128xi32, #tpu.memory_space<hbm>>) dst(%arg6 : memref<128xi32, #tpu.memory_space<vmem>>)
      tpu.yield
    }) : () -> ()
    "tpu.region"() ({
      %run_scoped3A = tpu.sem_alloc : memref<!tpu.dma_semaphore, #tpu.memory_space<semaphore_mem>>
      %dma_start3A_7 = tpu.memref_slice %arg4[%mul3A_2] : memref<4096xi32, #tpu.memory_space<hbm>> -> memref<128xi32, #tpu.memory_space<hbm>>
      %dma_start3A_8 = tpu.memref_slice %arg4[%mul3A_2] : memref<4096xi32, #tpu.memory_space<hbm>> -> memref<128xi32, #tpu.memory_space<hbm>>
      tpu.enqueue_dma source(%dma_start3A_8 : memref<128xi32, #tpu.memory_space<hbm>>) target(%arg7 : memref<128xi32, #tpu.memory_space<vmem>>) target_semaphore(%run_scoped3A : memref<!tpu.dma_semaphore, #tpu.memory_space<semaphore_mem>>)
      %dma_wait3A_9 = tpu.memref_slice %arg4[%mul3A_2] : memref<4096xi32, #tpu.memory_space<hbm>> -> memref<128xi32, #tpu.memory_space<hbm>>
      %dma_wait3A_10 = tpu.memref_slice %arg4[%mul3A_2] : memref<4096xi32, #tpu.memory_space<hbm>> -> memref<128xi32, #tpu.memory_space<hbm>>
      tpu.wait_dma2 semaphore(%run_scoped3A : memref<!tpu.dma_semaphore, #tpu.memory_space<semaphore_mem>>) src(%dma_wait3A_10 : memref<128xi32, #tpu.memory_space<hbm>>) dst(%arg7 : memref<128xi32, #tpu.memory_space<vmem>>)
      tpu.yield
    }) : () -> ()
    %dma_start3A = arith.constant 0 : i32
    %dma_start3A_3 = arith.constant 0 : i32
    %dma_start3A_4 = tpu.memref_slice %arg2[%dma_start3A, %dma_start3A_3] : memref<2048x768xf32, #tpu.memory_space<hbm>> -> memref<2048x768xf32, #tpu.memory_space<hbm>>
    tpu.enqueue_indirect_dma source(%dma_start3A_4 : memref<2048x768xf32, #tpu.memory_space<hbm>>) target(%arg8 : memref<128x768xf32, #tpu.memory_space<vmem>>) offsets(%arg6 : memref<128xi32, #tpu.memory_space<vmem>>) semaphore(%arg9 : memref<!tpu.dma_semaphore, #tpu.memory_space<semaphore_mem>>)
    %dma_wait3A = arith.constant 0 : i32
    %dma_wait3A_5 = arith.constant 0 : i32
    %dma_wait3A_6 = tpu.memref_slice %arg2[%dma_wait3A, %dma_wait3A_5] : memref<2048x768xf32, #tpu.memory_space<hbm>> -> memref<2048x768xf32, #tpu.memory_space<hbm>>
    tpu.wait_indirect_dma semaphore(%arg9 : memref<!tpu.dma_semaphore, #tpu.memory_space<semaphore_mem>>) src(%dma_wait3A_6 : memref<2048x768xf32, #tpu.memory_space<hbm>>) dst(%arg8 : memref<128x768xf32, #tpu.memory_space<vmem>>)
    "tpu.region"() ({
      %run_scoped3A = tpu.sem_alloc : memref<!tpu.dma_semaphore, #tpu.memory_space<semaphore_mem>>
      %dma_start3A_7 = arith.constant 0 : i32
      %dma_start3A_8 = arith.constant 0 : i32
      %dma_start3A_9 = tpu.memref_slice %arg5[%dma_start3A_7, %dma_start3A_8] : memref<5120x768xf32, #tpu.memory_space<hbm>> -> memref<5120x768xf32, #tpu.memory_space<hbm>>
      tpu.enqueue_indirect_dma source(%arg8 : memref<128x768xf32, #tpu.memory_space<vmem>>) target(%dma_start3A_9 : memref<5120x768xf32, #tpu.memory_space<hbm>>) offsets(%arg7 : memref<128xi32, #tpu.memory_space<vmem>>) semaphore(%run_scoped3A : memref<!tpu.dma_semaphore, #tpu.memory_space<semaphore_mem>>)
      %dma_wait3A_10 = arith.constant 0 : i32
      %dma_wait3A_11 = arith.constant 0 : i32
      %dma_wait3A_12 = tpu.memref_slice %arg5[%dma_wait3A_10, %dma_wait3A_11] : memref<5120x768xf32, #tpu.memory_space<hbm>> -> memref<5120x768xf32, #tpu.memory_space<hbm>>
      tpu.wait_indirect_dma semaphore(%run_scoped3A : memref<!tpu.dma_semaphore, #tpu.memory_space<semaphore_mem>>) src(%arg8 : memref<128x768xf32, #tpu.memory_space<vmem>>) dst(%dma_wait3A_12 : memref<5120x768xf32, #tpu.memory_space<hbm>>)
      tpu.yield
    }) : () -> ()
    return
  }
}

#map = affine_map<(d0, d1) -> (0, 0)>
#map1 = affine_map<(d0, d1) -> (0)>
module attributes {stable_mosaic.version = 14 : i64} {
  func.func @sc_gather(%arg0: i32, %arg1: i32, %arg2: memref<5120x768xf32, #tpu.memory_space<hbm>>, %arg3: memref<2048xi32, #tpu.memory_space<hbm>>, %arg4: memref<2048xi32, #tpu.memory_space<hbm>>, %arg5: memref<2048x768xf32, #tpu.memory_space<hbm>>, %arg6: memref<2048x768xf32, #tpu.memory_space<hbm>>, %arg7: memref<64xi32, #tpu.memory_space<vmem>>, %arg8: memref<64x768xf32, #tpu.memory_space<vmem>>, %arg9: memref<!tpu.dma_semaphore, #tpu.memory_space<semaphore_mem>>) attributes {dimension_semantics = [#tpu.dimension_semantics<core_parallel>, #tpu.dimension_semantics<subcore_parallel>], iteration_bounds = array<i64: 2, 16>, scalar_prefetch = 0 : i64, scratch_operands = 3 : i64, tpu.core_type = #tpu.core_type<sc_vector_subcore>, window_params = [{transform_indices = #map}, {transform_indices = #map1}, {transform_indices = #map1}, {transform_indices = #map}, {transform_indices = #map}]} {
    %mul3A = arith.constant 2 : i32
    %mul3A_0 = arith.muli %arg1, %mul3A : i32
    %add3A = arith.addi %mul3A_0, %arg0 : i32
    %mul3A_1 = arith.constant 64 : i32
    %mul3A_2 = arith.muli %add3A, %mul3A_1 : i32
    "tpu.region"() ({
      %run_scoped3A = tpu.sem_alloc : memref<!tpu.dma_semaphore, #tpu.memory_space<semaphore_mem>>
      %dma_start3A_13 = tpu.memref_slice %arg3[%mul3A_2] : memref<2048xi32, #tpu.memory_space<hbm>> -> memref<64xi32, #tpu.memory_space<hbm>>
      %dma_start3A_14 = tpu.memref_slice %arg3[%mul3A_2] : memref<2048xi32, #tpu.memory_space<hbm>> -> memref<64xi32, #tpu.memory_space<hbm>>
      tpu.enqueue_dma source(%dma_start3A_14 : memref<64xi32, #tpu.memory_space<hbm>>) target(%arg7 : memref<64xi32, #tpu.memory_space<vmem>>) target_semaphore(%run_scoped3A : memref<!tpu.dma_semaphore, #tpu.memory_space<semaphore_mem>>)
      %dma_wait3A_15 = tpu.memref_slice %arg3[%mul3A_2] : memref<2048xi32, #tpu.memory_space<hbm>> -> memref<64xi32, #tpu.memory_space<hbm>>
      %dma_wait3A_16 = tpu.memref_slice %arg3[%mul3A_2] : memref<2048xi32, #tpu.memory_space<hbm>> -> memref<64xi32, #tpu.memory_space<hbm>>
      tpu.wait_dma2 semaphore(%run_scoped3A : memref<!tpu.dma_semaphore, #tpu.memory_space<semaphore_mem>>) src(%dma_wait3A_16 : memref<64xi32, #tpu.memory_space<hbm>>) dst(%arg7 : memref<64xi32, #tpu.memory_space<vmem>>)
      tpu.yield
    }) : () -> ()
    %dma_start3A = arith.constant 0 : i32
    %dma_start3A_3 = arith.constant 0 : i32
    %dma_start3A_4 = tpu.memref_slice %arg2[%dma_start3A, %dma_start3A_3] : memref<5120x768xf32, #tpu.memory_space<hbm>> -> memref<5120x768xf32, #tpu.memory_space<hbm>>
    tpu.enqueue_indirect_dma source(%dma_start3A_4 : memref<5120x768xf32, #tpu.memory_space<hbm>>) target(%arg8 : memref<64x768xf32, #tpu.memory_space<vmem>>) offsets(%arg7 : memref<64xi32, #tpu.memory_space<vmem>>) semaphore(%arg9 : memref<!tpu.dma_semaphore, #tpu.memory_space<semaphore_mem>>)
    %dma_wait3A = arith.constant 0 : i32
    %dma_wait3A_5 = arith.constant 0 : i32
    %dma_wait3A_6 = tpu.memref_slice %arg2[%dma_wait3A, %dma_wait3A_5] : memref<5120x768xf32, #tpu.memory_space<hbm>> -> memref<5120x768xf32, #tpu.memory_space<hbm>>
    tpu.wait_indirect_dma semaphore(%arg9 : memref<!tpu.dma_semaphore, #tpu.memory_space<semaphore_mem>>) src(%dma_wait3A_6 : memref<5120x768xf32, #tpu.memory_space<hbm>>) dst(%arg8 : memref<64x768xf32, #tpu.memory_space<vmem>>)
    "tpu.region"() ({
      %run_scoped3A = tpu.sem_alloc : memref<!tpu.dma_semaphore, #tpu.memory_space<semaphore_mem>>
      %dma_start3A_13 = arith.constant 0 : i32
      %dma_start3A_14 = tpu.memref_slice %arg5[%mul3A_2, %dma_start3A_13] : memref<2048x768xf32, #tpu.memory_space<hbm>> -> memref<64x768xf32, #tpu.memory_space<hbm>>
      %dma_start3A_15 = arith.constant 0 : i32
      %dma_start3A_16 = tpu.memref_slice %arg5[%mul3A_2, %dma_start3A_15] : memref<2048x768xf32, #tpu.memory_space<hbm>> -> memref<64x768xf32, #tpu.memory_space<hbm>>
      tpu.enqueue_dma source(%arg8 : memref<64x768xf32, #tpu.memory_space<vmem>>) target(%dma_start3A_16 : memref<64x768xf32, #tpu.memory_space<hbm>>) target_semaphore(%run_scoped3A : memref<!tpu.dma_semaphore, #tpu.memory_space<semaphore_mem>>)
      %dma_wait3A_17 = arith.constant 0 : i32
      %dma_wait3A_18 = tpu.memref_slice %arg5[%mul3A_2, %dma_wait3A_17] : memref<2048x768xf32, #tpu.memory_space<hbm>> -> memref<64x768xf32, #tpu.memory_space<hbm>>
      %dma_wait3A_19 = arith.constant 0 : i32
      %dma_wait3A_20 = tpu.memref_slice %arg5[%mul3A_2, %dma_wait3A_19] : memref<2048x768xf32, #tpu.memory_space<hbm>> -> memref<64x768xf32, #tpu.memory_space<hbm>>
      tpu.wait_dma2 semaphore(%run_scoped3A : memref<!tpu.dma_semaphore, #tpu.memory_space<semaphore_mem>>) src(%arg8 : memref<64x768xf32, #tpu.memory_space<vmem>>) dst(%dma_wait3A_20 : memref<64x768xf32, #tpu.memory_space<hbm>>)
      tpu.yield
    }) : () -> ()
    "tpu.region"() ({
      %run_scoped3A = tpu.sem_alloc : memref<!tpu.dma_semaphore, #tpu.memory_space<semaphore_mem>>
      %dma_start3A_13 = tpu.memref_slice %arg4[%mul3A_2] : memref<2048xi32, #tpu.memory_space<hbm>> -> memref<64xi32, #tpu.memory_space<hbm>>
      %dma_start3A_14 = tpu.memref_slice %arg4[%mul3A_2] : memref<2048xi32, #tpu.memory_space<hbm>> -> memref<64xi32, #tpu.memory_space<hbm>>
      tpu.enqueue_dma source(%dma_start3A_14 : memref<64xi32, #tpu.memory_space<hbm>>) target(%arg7 : memref<64xi32, #tpu.memory_space<vmem>>) target_semaphore(%run_scoped3A : memref<!tpu.dma_semaphore, #tpu.memory_space<semaphore_mem>>)
      %dma_wait3A_15 = tpu.memref_slice %arg4[%mul3A_2] : memref<2048xi32, #tpu.memory_space<hbm>> -> memref<64xi32, #tpu.memory_space<hbm>>
      %dma_wait3A_16 = tpu.memref_slice %arg4[%mul3A_2] : memref<2048xi32, #tpu.memory_space<hbm>> -> memref<64xi32, #tpu.memory_space<hbm>>
      tpu.wait_dma2 semaphore(%run_scoped3A : memref<!tpu.dma_semaphore, #tpu.memory_space<semaphore_mem>>) src(%dma_wait3A_16 : memref<64xi32, #tpu.memory_space<hbm>>) dst(%arg7 : memref<64xi32, #tpu.memory_space<vmem>>)
      tpu.yield
    }) : () -> ()
    %dma_start3A_7 = arith.constant 0 : i32
    %dma_start3A_8 = arith.constant 0 : i32
    %dma_start3A_9 = tpu.memref_slice %arg2[%dma_start3A_7, %dma_start3A_8] : memref<5120x768xf32, #tpu.memory_space<hbm>> -> memref<5120x768xf32, #tpu.memory_space<hbm>>
    tpu.enqueue_indirect_dma source(%dma_start3A_9 : memref<5120x768xf32, #tpu.memory_space<hbm>>) target(%arg8 : memref<64x768xf32, #tpu.memory_space<vmem>>) offsets(%arg7 : memref<64xi32, #tpu.memory_space<vmem>>) semaphore(%arg9 : memref<!tpu.dma_semaphore, #tpu.memory_space<semaphore_mem>>)
    %dma_wait3A_10 = arith.constant 0 : i32
    %dma_wait3A_11 = arith.constant 0 : i32
    %dma_wait3A_12 = tpu.memref_slice %arg2[%dma_wait3A_10, %dma_wait3A_11] : memref<5120x768xf32, #tpu.memory_space<hbm>> -> memref<5120x768xf32, #tpu.memory_space<hbm>>
    tpu.wait_indirect_dma semaphore(%arg9 : memref<!tpu.dma_semaphore, #tpu.memory_space<semaphore_mem>>) src(%dma_wait3A_12 : memref<5120x768xf32, #tpu.memory_space<hbm>>) dst(%arg8 : memref<64x768xf32, #tpu.memory_space<vmem>>)
    "tpu.region"() ({
      %run_scoped3A = tpu.sem_alloc : memref<!tpu.dma_semaphore, #tpu.memory_space<semaphore_mem>>
      %dma_start3A_13 = arith.constant 0 : i32
      %dma_start3A_14 = tpu.memref_slice %arg6[%mul3A_2, %dma_start3A_13] : memref<2048x768xf32, #tpu.memory_space<hbm>> -> memref<64x768xf32, #tpu.memory_space<hbm>>
      %dma_start3A_15 = arith.constant 0 : i32
      %dma_start3A_16 = tpu.memref_slice %arg6[%mul3A_2, %dma_start3A_15] : memref<2048x768xf32, #tpu.memory_space<hbm>> -> memref<64x768xf32, #tpu.memory_space<hbm>>
      tpu.enqueue_dma source(%arg8 : memref<64x768xf32, #tpu.memory_space<vmem>>) target(%dma_start3A_16 : memref<64x768xf32, #tpu.memory_space<hbm>>) target_semaphore(%run_scoped3A : memref<!tpu.dma_semaphore, #tpu.memory_space<semaphore_mem>>)
      %dma_wait3A_17 = arith.constant 0 : i32
      %dma_wait3A_18 = tpu.memref_slice %arg6[%mul3A_2, %dma_wait3A_17] : memref<2048x768xf32, #tpu.memory_space<hbm>> -> memref<64x768xf32, #tpu.memory_space<hbm>>
      %dma_wait3A_19 = arith.constant 0 : i32
      %dma_wait3A_20 = tpu.memref_slice %arg6[%mul3A_2, %dma_wait3A_19] : memref<2048x768xf32, #tpu.memory_space<hbm>> -> memref<64x768xf32, #tpu.memory_space<hbm>>
      tpu.wait_dma2 semaphore(%run_scoped3A : memref<!tpu.dma_semaphore, #tpu.memory_space<semaphore_mem>>) src(%arg8 : memref<64x768xf32, #tpu.memory_space<vmem>>) dst(%dma_wait3A_20 : memref<64x768xf32, #tpu.memory_space<hbm>>)
      tpu.yield
    }) : () -> ()
    return
  }
}

module attributes {stable_mosaic.version = 14 : i64} {
  func.func @_router_body(%arg0: memref<2048x768xf32, #tpu.memory_space<vmem>>, %arg1: memref<8x768xf32, #tpu.memory_space<vmem>>, %arg2: memref<2048x2xi32, #tpu.memory_space<vmem>>, %arg3: memref<2048x2xf32, #tpu.memory_space<vmem>>, %arg4: memref<1x128xi32, #tpu.memory_space<vmem>>, %arg5: memref<1x1xf32, #tpu.memory_space<vmem>>) attributes {dimension_semantics = [], scalar_prefetch = 0 : i64, scratch_operands = 0 : i64, tpu.core_type = #tpu.core_type<tc>} {
    %get3A = arith.constant 0 : index
    %get3A_0 = arith.constant 0 : index
    %get3A_1 = vector.load %arg0[%get3A, %get3A_0] : memref<2048x768xf32, #tpu.memory_space<vmem>>, vector<2048x768xf32>
    %get3A_2 = arith.constant 0 : index
    %get3A_3 = arith.constant 0 : index
    %get3A_4 = vector.load %arg1[%get3A_2, %get3A_3] : memref<8x768xf32, #tpu.memory_space<vmem>>, vector<8x768xf32>
    %dot_general3A = arith.constant dense<0.000000e+00> : vector<2048x8xf32>
    %dot_general3A_5 = tpu.matmul %get3A_1, %get3A_4, %dot_general3A {dimension_numbers = #tpu.dot_dimension_numbers<[1], [1], [0], [0], [0, 0, 1, 0], [], []>, transpose_lhs_hint = false} : vector<2048x768xf32>, vector<8x768xf32>, vector<2048x8xf32> -> vector<2048x8xf32>
    %reduce_max3A = arith.constant dense<0xFF800000> : vector<2048xf32>
    %reduce_max3A_6 = vector.multi_reduction <maximumf>, %dot_general3A_5, %reduce_max3A [1] : vector<2048x8xf32> to vector<2048xf32>
    %broadcast_in_dim3A = vector.shape_cast %reduce_max3A_6 : vector<2048xf32> to vector<2048x1xf32>
    %sub3A = vector.broadcast %broadcast_in_dim3A : vector<2048x1xf32> to vector<2048x8xf32>
    %sub3A_7 = arith.subf %dot_general3A_5, %sub3A : vector<2048x8xf32>
    %exp3A = math.exp %sub3A_7 : vector<2048x8xf32>
    %reduce_sum3A = arith.constant dense<0.000000e+00> : vector<2048xf32>
    %reduce_sum3A_8 = vector.multi_reduction <add>, %exp3A, %reduce_sum3A [1] : vector<2048x8xf32> to vector<2048xf32>
    %broadcast_in_dim3A_9 = vector.shape_cast %reduce_sum3A_8 : vector<2048xf32> to vector<2048x1xf32>
    %div3A = vector.broadcast %broadcast_in_dim3A_9 : vector<2048x1xf32> to vector<2048x8xf32>
    %div3A_10 = arith.divf %exp3A, %div3A : vector<2048x8xf32>
    %iota3A = tpu.iota {dimensions = array<i32: 1>} : vector<2048x8xi32>
    %reduce_max3A_11 = arith.constant dense<0xFF800000> : vector<2048xf32>
    %reduce_max3A_12 = vector.multi_reduction <maximumf>, %div3A_10, %reduce_max3A_11 [1] : vector<2048x8xf32> to vector<2048xf32>
    %broadcast_in_dim3A_13 = vector.shape_cast %reduce_max3A_12 : vector<2048xf32> to vector<2048x1xf32>
    %eq3A = vector.broadcast %broadcast_in_dim3A_13 : vector<2048x1xf32> to vector<2048x8xf32>
    %eq3A_14 = arith.cmpf oeq, %div3A_10, %eq3A : vector<2048x8xf32>
    %jit3A = arith.constant 8 : i32
    %broadcast_in_dim3A_15 = vector.broadcast %jit3A : i32 to vector<2048x8xi32>
    %select_n3A = arith.select %eq3A_14, %iota3A, %broadcast_in_dim3A_15 : vector<2048x8xi1>, vector<2048x8xi32>
    %reduce_min3A = arith.constant dense<2147483647> : vector<2048xi32>
    %reduce_min3A_16 = vector.multi_reduction <minsi>, %select_n3A, %reduce_min3A [1] : vector<2048x8xi32> to vector<2048xi32>
    %broadcast_in_dim3A_17 = vector.shape_cast %reduce_min3A_16 : vector<2048xi32> to vector<2048x1xi32>
    %eq3A_18 = vector.broadcast %broadcast_in_dim3A_17 : vector<2048x1xi32> to vector<2048x8xi32>
    %eq3A_19 = arith.cmpi eq, %iota3A, %eq3A_18 : vector<2048x8xi32>
    %jit3A_20 = arith.constant 0xFF800000 : f32
    %broadcast_in_dim3A_21 = vector.broadcast %jit3A_20 : f32 to vector<2048x8xf32>
    %select_n3A_22 = arith.select %eq3A_19, %broadcast_in_dim3A_21, %div3A_10 : vector<2048x8xi1>, vector<2048x8xf32>
    %reduce_max3A_23 = arith.constant dense<0xFF800000> : vector<2048xf32>
    %reduce_max3A_24 = vector.multi_reduction <maximumf>, %select_n3A_22, %reduce_max3A_23 [1] : vector<2048x8xf32> to vector<2048xf32>
    %broadcast_in_dim3A_25 = vector.shape_cast %reduce_max3A_24 : vector<2048xf32> to vector<2048x1xf32>
    %eq3A_26 = vector.broadcast %broadcast_in_dim3A_25 : vector<2048x1xf32> to vector<2048x8xf32>
    %eq3A_27 = arith.cmpf oeq, %select_n3A_22, %eq3A_26 : vector<2048x8xf32>
    %jit3A_28 = arith.constant 8 : i32
    %broadcast_in_dim3A_29 = vector.broadcast %jit3A_28 : i32 to vector<2048x8xi32>
    %select_n3A_30 = arith.select %eq3A_27, %iota3A, %broadcast_in_dim3A_29 : vector<2048x8xi1>, vector<2048x8xi32>
    %reduce_min3A_31 = arith.constant dense<2147483647> : vector<2048xi32>
    %reduce_min3A_32 = vector.multi_reduction <minsi>, %select_n3A_30, %reduce_min3A_31 [1] : vector<2048x8xi32> to vector<2048xi32>
    %broadcast_in_dim3A_33 = vector.shape_cast %reduce_min3A_32 : vector<2048xi32> to vector<2048x1xi32>
    %eq3A_34 = vector.broadcast %broadcast_in_dim3A_33 : vector<2048x1xi32> to vector<2048x8xi32>
    %eq3A_35 = arith.cmpi eq, %iota3A, %eq3A_34 : vector<2048x8xi32>
    %add3A = arith.addf %broadcast_in_dim3A_13, %broadcast_in_dim3A_25 : vector<2048x1xf32>
    %div3A_36 = arith.divf %broadcast_in_dim3A_13, %add3A : vector<2048x1xf32>
    %div3A_37 = arith.divf %broadcast_in_dim3A_25, %add3A : vector<2048x1xf32>
    %concatenate3A = tpu.concatenate %div3A_36, %div3A_37 in 1 : vector<2048x1xf32>, vector<2048x1xf32> -> vector<2048x2xf32>
    %swap3A = arith.constant 0 : index
    %swap3A_38 = arith.constant 0 : index
    %swap3A_39 = vector.load %arg3[%swap3A, %swap3A_38] : memref<2048x2xf32, #tpu.memory_space<vmem>>, vector<2048x2xf32>
    tpu.vector_store %arg3[%swap3A, %swap3A_38], %concatenate3A {strides = array<i32>} : memref<2048x2xf32, #tpu.memory_space<vmem>>, vector<2048x2xf32>,
    %convert_element_type3A = arith.extui %eq3A_19 : vector<2048x8xi1> to vector<2048x8xi32>
    %convert_element_type3A_40 = arith.sitofp %convert_element_type3A : vector<2048x8xi32> to vector<2048x8xf32>
    %convert_element_type3A_41 = arith.extui %eq3A_35 : vector<2048x8xi1> to vector<2048x8xi32>
    %convert_element_type3A_42 = arith.sitofp %convert_element_type3A_41 : vector<2048x8xi32> to vector<2048x8xf32>
    %add3A_43 = arith.addf %convert_element_type3A_40, %convert_element_type3A_42 : vector<2048x8xf32>
    %reduce_sum3A_44 = arith.constant dense<0.000000e+00> : vector<8xf32>
    %reduce_sum3A_45 = vector.multi_reduction <add>, %add3A_43, %reduce_sum3A_44 [0] : vector<2048x8xf32> to vector<8xf32>
    %broadcast_in_dim3A_46 = vector.shape_cast %reduce_sum3A_45 : vector<8xf32> to vector<1x8xf32>
    %reduce_sum3A_47 = arith.constant dense<0.000000e+00> : vector<8xf32>
    %reduce_sum3A_48 = vector.multi_reduction <add>, %div3A_10, %reduce_sum3A_47 [0] : vector<2048x8xf32> to vector<8xf32>
    %broadcast_in_dim3A_49 = vector.shape_cast %reduce_sum3A_48 : vector<8xf32> to vector<1x8xf32>
    %mul3A = arith.mulf %broadcast_in_dim3A_46, %broadcast_in_dim3A_49 : vector<1x8xf32>
    %reduce_sum3A_50 = arith.constant dense<0.000000e+00> : vector<1xf32>
    %reduce_sum3A_51 = vector.multi_reduction <add>, %mul3A, %reduce_sum3A_50 [1] : vector<1x8xf32> to vector<1xf32>
    %broadcast_in_dim3A_52 = vector.shape_cast %reduce_sum3A_51 : vector<1xf32> to vector<1x1xf32>
    %mul3A_53 = arith.constant 1.90734859E-8 : f32
    %mul3A_54 = vector.broadcast %mul3A_53 : f32 to vector<1x1xf32>
    %mul3A_55 = arith.mulf %mul3A_54, %broadcast_in_dim3A_52 : vector<1x1xf32>
    %swap3A_56 = arith.constant 0 : index
    %swap3A_57 = arith.constant 0 : index
    %swap3A_58 = vector.load %arg5[%swap3A_56, %swap3A_57] : memref<1x1xf32, #tpu.memory_space<vmem>>, vector<1x1xf32>
    tpu.vector_store %arg5[%swap3A_56, %swap3A_57], %mul3A_55 {strides = array<i32>} : memref<1x1xf32, #tpu.memory_space<vmem>>, vector<1x1xf32>,
    %broadcast_in_dim3A_59 = arith.constant 0.000000e+00 : f32
    %broadcast_in_dim3A_60 = vector.broadcast %broadcast_in_dim3A_59 : f32 to vector<1x8xf32>
    %slice3A = vector.extract_strided_slice %add3A_43 {offsets = [0, 0], sizes = [2047, 8], strides = [1, 1]} : vector<2048x8xf32> to vector<2047x8xf32>
    %concatenate3A_61 = tpu.concatenate %broadcast_in_dim3A_60, %slice3A in 0 : vector<1x8xf32>, vector<2047x8xf32> -> vector<2048x8xf32>
    %add3A_62 = arith.addf %add3A_43, %concatenate3A_61 : vector<2048x8xf32>
    %broadcast_in_dim3A_63 = arith.constant 0.000000e+00 : f32
    %broadcast_in_dim3A_64 = vector.broadcast %broadcast_in_dim3A_63 : f32 to vector<2x8xf32>
    %slice3A_65 = vector.extract_strided_slice %add3A_62 {offsets = [0, 0], sizes = [2046, 8], strides = [1, 1]} : vector<2048x8xf32> to vector<2046x8xf32>
    %concatenate3A_66 = tpu.concatenate %broadcast_in_dim3A_64, %slice3A_65 in 0 : vector<2x8xf32>, vector<2046x8xf32> -> vector<2048x8xf32>
    %add3A_67 = arith.addf %add3A_62, %concatenate3A_66 : vector<2048x8xf32>
    %broadcast_in_dim3A_68 = arith.constant 0.000000e+00 : f32
    %broadcast_in_dim3A_69 = vector.broadcast %broadcast_in_dim3A_68 : f32 to vector<4x8xf32>
    %slice3A_70 = vector.extract_strided_slice %add3A_67 {offsets = [0, 0], sizes = [2044, 8], strides = [1, 1]} : vector<2048x8xf32> to vector<2044x8xf32>
    %concatenate3A_71 = tpu.concatenate %broadcast_in_dim3A_69, %slice3A_70 in 0 : vector<4x8xf32>, vector<2044x8xf32> -> vector<2048x8xf32>
    %add3A_72 = arith.addf %add3A_67, %concatenate3A_71 : vector<2048x8xf32>
    %broadcast_in_dim3A_73 = arith.constant 0.000000e+00 : f32
    %broadcast_in_dim3A_74 = vector.broadcast %broadcast_in_dim3A_73 : f32 to vector<8x8xf32>
    %slice3A_75 = vector.extract_strided_slice %add3A_72 {offsets = [0, 0], sizes = [2040, 8], strides = [1, 1]} : vector<2048x8xf32> to vector<2040x8xf32>
    %concatenate3A_76 = tpu.concatenate %broadcast_in_dim3A_74, %slice3A_75 in 0 : vector<8x8xf32>, vector<2040x8xf32> -> vector<2048x8xf32>
    %add3A_77 = arith.addf %add3A_72, %concatenate3A_76 : vector<2048x8xf32>
    %broadcast_in_dim3A_78 = arith.constant 0.000000e+00 : f32
    %broadcast_in_dim3A_79 = vector.broadcast %broadcast_in_dim3A_78 : f32 to vector<16x8xf32>
    %slice3A_80 = vector.extract_strided_slice %add3A_77 {offsets = [0, 0], sizes = [2032, 8], strides = [1, 1]} : vector<2048x8xf32> to vector<2032x8xf32>
    %concatenate3A_81 = tpu.concatenate %broadcast_in_dim3A_79, %slice3A_80 in 0 : vector<16x8xf32>, vector<2032x8xf32> -> vector<2048x8xf32>
    %add3A_82 = arith.addf %add3A_77, %concatenate3A_81 : vector<2048x8xf32>
    %broadcast_in_dim3A_83 = arith.constant 0.000000e+00 : f32
    %broadcast_in_dim3A_84 = vector.broadcast %broadcast_in_dim3A_83 : f32 to vector<32x8xf32>
    %slice3A_85 = vector.extract_strided_slice %add3A_82 {offsets = [0, 0], sizes = [2016, 8], strides = [1, 1]} : vector<2048x8xf32> to vector<2016x8xf32>
    %concatenate3A_86 = tpu.concatenate %broadcast_in_dim3A_84, %slice3A_85 in 0 : vector<32x8xf32>, vector<2016x8xf32> -> vector<2048x8xf32>
    %add3A_87 = arith.addf %add3A_82, %concatenate3A_86 : vector<2048x8xf32>
    %broadcast_in_dim3A_88 = arith.constant 0.000000e+00 : f32
    %broadcast_in_dim3A_89 = vector.broadcast %broadcast_in_dim3A_88 : f32 to vector<64x8xf32>
    %slice3A_90 = vector.extract_strided_slice %add3A_87 {offsets = [0, 0], sizes = [1984, 8], strides = [1, 1]} : vector<2048x8xf32> to vector<1984x8xf32>
    %concatenate3A_91 = tpu.concatenate %broadcast_in_dim3A_89, %slice3A_90 in 0 : vector<64x8xf32>, vector<1984x8xf32> -> vector<2048x8xf32>
    %add3A_92 = arith.addf %add3A_87, %concatenate3A_91 : vector<2048x8xf32>
    %broadcast_in_dim3A_93 = arith.constant 0.000000e+00 : f32
    %broadcast_in_dim3A_94 = vector.broadcast %broadcast_in_dim3A_93 : f32 to vector<128x8xf32>
    %slice3A_95 = vector.extract_strided_slice %add3A_92 {offsets = [0, 0], sizes = [1920, 8], strides = [1, 1]} : vector<2048x8xf32> to vector<1920x8xf32>
    %concatenate3A_96 = tpu.concatenate %broadcast_in_dim3A_94, %slice3A_95 in 0 : vector<128x8xf32>, vector<1920x8xf32> -> vector<2048x8xf32>
    %add3A_97 = arith.addf %add3A_92, %concatenate3A_96 : vector<2048x8xf32>
    %broadcast_in_dim3A_98 = arith.constant 0.000000e+00 : f32
    %broadcast_in_dim3A_99 = vector.broadcast %broadcast_in_dim3A_98 : f32 to vector<256x8xf32>
    %slice3A_100 = vector.extract_strided_slice %add3A_97 {offsets = [0, 0], sizes = [1792, 8], strides = [1, 1]} : vector<2048x8xf32> to vector<1792x8xf32>
    %concatenate3A_101 = tpu.concatenate %broadcast_in_dim3A_99, %slice3A_100 in 0 : vector<256x8xf32>, vector<1792x8xf32> -> vector<2048x8xf32>
    %add3A_102 = arith.addf %add3A_97, %concatenate3A_101 : vector<2048x8xf32>
    %broadcast_in_dim3A_103 = arith.constant 0.000000e+00 : f32
    %broadcast_in_dim3A_104 = vector.broadcast %broadcast_in_dim3A_103 : f32 to vector<512x8xf32>
    %slice3A_105 = vector.extract_strided_slice %add3A_102 {offsets = [0, 0], sizes = [1536, 8], strides = [1, 1]} : vector<2048x8xf32> to vector<1536x8xf32>
    %concatenate3A_106 = tpu.concatenate %broadcast_in_dim3A_104, %slice3A_105 in 0 : vector<512x8xf32>, vector<1536x8xf32> -> vector<2048x8xf32>
    %add3A_107 = arith.addf %add3A_102, %concatenate3A_106 : vector<2048x8xf32>
    %broadcast_in_dim3A_108 = arith.constant 0.000000e+00 : f32
    %broadcast_in_dim3A_109 = vector.broadcast %broadcast_in_dim3A_108 : f32 to vector<1024x8xf32>
    %slice3A_110 = vector.extract_strided_slice %add3A_107 {offsets = [0, 0], sizes = [1024, 8], strides = [1, 1]} : vector<2048x8xf32> to vector<1024x8xf32>
    %concatenate3A_111 = tpu.concatenate %broadcast_in_dim3A_109, %slice3A_110 in 0 : vector<1024x8xf32>, vector<1024x8xf32> -> vector<2048x8xf32>
    %add3A_112 = arith.addf %add3A_107, %concatenate3A_111 : vector<2048x8xf32>
    %sub3A_113 = arith.subf %add3A_112, %add3A_43 : vector<2048x8xf32>
    %mul3A_114 = arith.mulf %sub3A_113, %convert_element_type3A_40 : vector<2048x8xf32>
    %reduce_sum3A_115 = arith.constant dense<0.000000e+00> : vector<2048xf32>
    %reduce_sum3A_116 = vector.multi_reduction <add>, %mul3A_114, %reduce_sum3A_115 [1] : vector<2048x8xf32> to vector<2048xf32>
    %broadcast_in_dim3A_117 = vector.shape_cast %reduce_sum3A_116 : vector<2048xf32> to vector<2048x1xf32>
    %mul3A_118 = arith.mulf %sub3A_113, %convert_element_type3A_42 : vector<2048x8xf32>
    %reduce_sum3A_119 = arith.constant dense<0.000000e+00> : vector<2048xf32>
    %reduce_sum3A_120 = vector.multi_reduction <add>, %mul3A_118, %reduce_sum3A_119 [1] : vector<2048x8xf32> to vector<2048xf32>
    %broadcast_in_dim3A_121 = vector.shape_cast %reduce_sum3A_120 : vector<2048xf32> to vector<2048x1xf32>
    %reduce_sum3A_122 = arith.constant dense<0.000000e+00> : vector<8xf32>
    %reduce_sum3A_123 = vector.multi_reduction <add>, %add3A_43, %reduce_sum3A_122 [0] : vector<2048x8xf32> to vector<8xf32>
    %broadcast_in_dim3A_124 = vector.shape_cast %reduce_sum3A_123 : vector<8xf32> to vector<1x8xf32>
    %add3A_125 = arith.constant 1.270000e+02 : f32
    %add3A_126 = vector.broadcast %add3A_125 : f32 to vector<1x8xf32>
    %add3A_127 = arith.addf %broadcast_in_dim3A_124, %add3A_126 : vector<1x8xf32>
    %mul3A_128 = arith.constant 7.812500e-03 : f32
    %mul3A_129 = vector.broadcast %mul3A_128 : f32 to vector<1x8xf32>
    %mul3A_130 = arith.mulf %add3A_127, %mul3A_129 : vector<1x8xf32>
    %floor3A = math.floor %mul3A_130 : vector<1x8xf32>
    %mul3A_131 = arith.constant 1.280000e+02 : f32
    %mul3A_132 = vector.broadcast %mul3A_131 : f32 to vector<1x8xf32>
    %mul3A_133 = arith.mulf %floor3A, %mul3A_132 : vector<1x8xf32>
    %broadcast_in_dim3A_134 = arith.constant 0.000000e+00 : f32
    %broadcast_in_dim3A_135 = vector.broadcast %broadcast_in_dim3A_134 : f32 to vector<1x1xf32>
    %slice3A_136 = vector.extract_strided_slice %mul3A_133 {offsets = [0, 0], sizes = [1, 7], strides = [1, 1]} : vector<1x8xf32> to vector<1x7xf32>
    %concatenate3A_137 = tpu.concatenate %broadcast_in_dim3A_135, %slice3A_136 in 1 : vector<1x1xf32>, vector<1x7xf32> -> vector<1x8xf32>
    %add3A_138 = arith.addf %mul3A_133, %concatenate3A_137 : vector<1x8xf32>
    %broadcast_in_dim3A_139 = arith.constant 0.000000e+00 : f32
    %broadcast_in_dim3A_140 = vector.broadcast %broadcast_in_dim3A_139 : f32 to vector<1x2xf32>
    %slice3A_141 = vector.extract_strided_slice %add3A_138 {offsets = [0, 0], sizes = [1, 6], strides = [1, 1]} : vector<1x8xf32> to vector<1x6xf32>
    %concatenate3A_142 = tpu.concatenate %broadcast_in_dim3A_140, %slice3A_141 in 1 : vector<1x2xf32>, vector<1x6xf32> -> vector<1x8xf32>
    %add3A_143 = arith.addf %add3A_138, %concatenate3A_142 : vector<1x8xf32>
    %broadcast_in_dim3A_144 = arith.constant 0.000000e+00 : f32
    %broadcast_in_dim3A_145 = vector.broadcast %broadcast_in_dim3A_144 : f32 to vector<1x4xf32>
    %slice3A_146 = vector.extract_strided_slice %add3A_143 {offsets = [0, 0], sizes = [1, 4], strides = [1, 1]} : vector<1x8xf32> to vector<1x4xf32>
    %concatenate3A_147 = tpu.concatenate %broadcast_in_dim3A_145, %slice3A_146 in 1 : vector<1x4xf32>, vector<1x4xf32> -> vector<1x8xf32>
    %add3A_148 = arith.addf %add3A_143, %concatenate3A_147 : vector<1x8xf32>
    %sub3A_149 = arith.subf %add3A_148, %mul3A_133 : vector<1x8xf32>
    %mul3A_150 = vector.broadcast %sub3A_149 : vector<1x8xf32> to vector<2048x8xf32>
    %mul3A_151 = arith.mulf %mul3A_150, %convert_element_type3A_40 : vector<2048x8xf32>
    %reduce_sum3A_152 = arith.constant dense<0.000000e+00> : vector<2048xf32>
    %reduce_sum3A_153 = vector.multi_reduction <add>, %mul3A_151, %reduce_sum3A_152 [1] : vector<2048x8xf32> to vector<2048xf32>
    %broadcast_in_dim3A_154 = vector.shape_cast %reduce_sum3A_153 : vector<2048xf32> to vector<2048x1xf32>
    %mul3A_155 = vector.broadcast %sub3A_149 : vector<1x8xf32> to vector<2048x8xf32>
    %mul3A_156 = arith.mulf %mul3A_155, %convert_element_type3A_42 : vector<2048x8xf32>
    %reduce_sum3A_157 = arith.constant dense<0.000000e+00> : vector<2048xf32>
    %reduce_sum3A_158 = vector.multi_reduction <add>, %mul3A_156, %reduce_sum3A_157 [1] : vector<2048x8xf32> to vector<2048xf32>
    %broadcast_in_dim3A_159 = vector.shape_cast %reduce_sum3A_158 : vector<2048xf32> to vector<2048x1xf32>
    %add3A_160 = arith.addf %broadcast_in_dim3A_154, %broadcast_in_dim3A_117 : vector<2048x1xf32>
    %add3A_161 = arith.addf %broadcast_in_dim3A_159, %broadcast_in_dim3A_121 : vector<2048x1xf32>
    %concatenate3A_162 = tpu.concatenate %add3A_160, %add3A_161 in 1 : vector<2048x1xf32>, vector<2048x1xf32> -> vector<2048x2xf32>
    %convert_element_type3A_163 = arith.fptosi %concatenate3A_162 : vector<2048x2xf32> to vector<2048x2xi32>
    %swap3A_164 = arith.constant 0 : index
    %swap3A_165 = arith.constant 0 : index
    %swap3A_166 = vector.load %arg2[%swap3A_164, %swap3A_165] : memref<2048x2xi32, #tpu.memory_space<vmem>>, vector<2048x2xi32>
    tpu.vector_store %arg2[%swap3A_164, %swap3A_165], %convert_element_type3A_163 {strides = array<i32>} : memref<2048x2xi32, #tpu.memory_space<vmem>>, vector<2048x2xi32>,
    %add3A_167 = arith.addf %sub3A_149, %mul3A_133 : vector<1x8xf32>
    %reshape3A = vector.shape_cast %add3A_167 : vector<1x8xf32> to vector<8x1xf32>
    %iota3A_168 = tpu.iota {dimensions = array<i32: 1>} : vector<8x128xi32>
    %convert_element_type3A_169 = arith.sitofp %iota3A_168 : vector<8x128xi32> to vector<8x128xf32>
    %mul3A_170 = arith.constant 1.280000e+02 : f32
    %mul3A_171 = vector.broadcast %mul3A_170 : f32 to vector<8x128xf32>
    %mul3A_172 = arith.mulf %convert_element_type3A_169, %mul3A_171 : vector<8x128xf32>
    %le3A = vector.broadcast %reshape3A : vector<8x1xf32> to vector<8x128xf32>
    %le3A_173 = arith.cmpf ole, %le3A, %mul3A_172 : vector<8x128xf32>
    %convert_element_type3A_174 = arith.extui %le3A_173 : vector<8x128xi1> to vector<8x128xi32>
    %convert_element_type3A_175 = arith.sitofp %convert_element_type3A_174 : vector<8x128xi32> to vector<8x128xf32>
    %reduce_sum3A_176 = arith.constant dense<0.000000e+00> : vector<128xf32>
    %reduce_sum3A_177 = vector.multi_reduction <add>, %convert_element_type3A_175, %reduce_sum3A_176 [0] : vector<8x128xf32> to vector<128xf32>
    %broadcast_in_dim3A_178 = vector.shape_cast %reduce_sum3A_177 : vector<128xf32> to vector<1x128xf32>
    %min3A = arith.constant 7.000000e+00 : f32
    %min3A_179 = vector.broadcast %min3A : f32 to vector<1x128xf32>
    %min3A_180 = arith.minimumf %broadcast_in_dim3A_178, %min3A_179 : vector<1x128xf32>
    %convert_element_type3A_181 = arith.fptosi %min3A_180 : vector<1x128xf32> to vector<1x128xi32>
    %swap3A_182 = arith.constant 0 : index
    %swap3A_183 = arith.constant 0 : index
    %swap3A_184 = vector.load %arg4[%swap3A_182, %swap3A_183] : memref<1x128xi32, #tpu.memory_space<vmem>>, vector<1x128xi32>
    tpu.vector_store %arg4[%swap3A_182, %swap3A_183], %convert_element_type3A_181 {strides = array<i32>} : memref<1x128xi32, #tpu.memory_space<vmem>>, vector<1x128xi32>,
    return
  }
}

module attributes {stable_mosaic.version = 14 : i64} {
  func.func @_ffn_body(%arg0: i32, %arg1: i32, %arg2: memref<128xi32, #tpu.memory_space<smem>>, %arg3: memref<128x768xf32, #tpu.memory_space<vmem>>, %arg4: memref<1x768x512xf32, #tpu.memory_space<vmem>>, %arg5: memref<1x768x512xf32, #tpu.memory_space<vmem>>, %arg6: memref<1x512x768xf32, #tpu.memory_space<vmem>>, %arg7: memref<128x768xf32, #tpu.memory_space<vmem>>) attributes {dimension_semantics = [#tpu.dimension_semantics<arbitrary>, #tpu.dimension_semantics<arbitrary>], iteration_bounds = array<i64: 40, 4>, scalar_prefetch = 1 : i64, scratch_operands = 0 : i64, tpu.core_type = #tpu.core_type<tc>, window_params = [{transform_indices = @transform_0, window_bounds = array<i64: 128, 768>}, {transform_indices = @transform_1, window_bounds = array<i64: 1, 768, 512>}, {transform_indices = @transform_2, window_bounds = array<i64: 1, 768, 512>}, {transform_indices = @transform_3, window_bounds = array<i64: 1, 512, 768>}, {transform_indices = @transform_4, window_bounds = array<i64: 128, 768>}]} {
    %get3A = arith.constant 0 : index
    %get3A_0 = arith.constant 0 : index
    %get3A_1 = vector.load %arg3[%get3A, %get3A_0] : memref<128x768xf32, #tpu.memory_space<vmem>>, vector<128x768xf32>
    %get3A_2 = arith.constant 0 : index
    %get3A_3 = arith.constant 0 : index
    %get3A_4 = arith.constant 0 : index
    %get3A_5 = vector.load %arg4[%get3A_2, %get3A_3, %get3A_4] : memref<1x768x512xf32, #tpu.memory_space<vmem>>, vector<1x768x512xf32>
    %get3A_6 = vector.shape_cast %get3A_5 : vector<1x768x512xf32> to vector<768x512xf32>
    %dot_general3A = arith.constant dense<0.000000e+00> : vector<128x512xf32>
    %dot_general3A_7 = tpu.matmul %get3A_1, %get3A_6, %dot_general3A {dimension_numbers = #tpu.dot_dimension_numbers<[1], [0], [0], [1], [0, 0, 1, 1], [], []>, transpose_lhs_hint = false} : vector<128x768xf32>, vector<768x512xf32>, vector<128x512xf32> -> vector<128x512xf32>
    %get3A_8 = arith.constant 0 : index
    %get3A_9 = arith.constant 0 : index
    %get3A_10 = arith.constant 0 : index
    %get3A_11 = vector.load %arg5[%get3A_8, %get3A_9, %get3A_10] : memref<1x768x512xf32, #tpu.memory_space<vmem>>, vector<1x768x512xf32>
    %get3A_12 = vector.shape_cast %get3A_11 : vector<1x768x512xf32> to vector<768x512xf32>
    %dot_general3A_13 = arith.constant dense<0.000000e+00> : vector<128x512xf32>
    %dot_general3A_14 = tpu.matmul %get3A_1, %get3A_12, %dot_general3A_13 {dimension_numbers = #tpu.dot_dimension_numbers<[1], [0], [0], [1], [0, 0, 1, 1], [], []>, transpose_lhs_hint = false} : vector<128x768xf32>, vector<768x512xf32>, vector<128x512xf32> -> vector<128x512xf32>
    %logistic3A = arith.negf %dot_general3A_7 : vector<128x512xf32>
    %logistic3A_15 = math.exp %logistic3A : vector<128x512xf32>
    %logistic3A_16 = arith.constant 1.000000e+00 : f32
    %logistic3A_17 = vector.broadcast %logistic3A_16 : f32 to vector<128x512xf32>
    %logistic3A_18 = arith.addf %logistic3A_17, %logistic3A_15 : vector<128x512xf32>
    %logistic3A_19 = arith.divf %logistic3A_17, %logistic3A_18 : vector<128x512xf32>
    %mul3A = arith.mulf %dot_general3A_7, %logistic3A_19 : vector<128x512xf32>
    %mul3A_20 = arith.mulf %mul3A, %dot_general3A_14 : vector<128x512xf32>
    %get3A_21 = arith.constant 0 : index
    %get3A_22 = arith.constant 0 : index
    %get3A_23 = arith.constant 0 : index
    %get3A_24 = vector.load %arg6[%get3A_21, %get3A_22, %get3A_23] : memref<1x512x768xf32, #tpu.memory_space<vmem>>, vector<1x512x768xf32>
    %get3A_25 = vector.shape_cast %get3A_24 : vector<1x512x768xf32> to vector<512x768xf32>
    %dot_general3A_26 = arith.constant dense<0.000000e+00> : vector<128x768xf32>
    %dot_general3A_27 = tpu.matmul %mul3A_20, %get3A_25, %dot_general3A_26 {dimension_numbers = #tpu.dot_dimension_numbers<[1], [0], [0], [1], [0, 0, 1, 1], [], []>, transpose_lhs_hint = false} : vector<128x512xf32>, vector<512x768xf32>, vector<128x768xf32> -> vector<128x768xf32>
    %eq3A = arith.constant 0 : i32
    %eq3A_28 = arith.cmpi eq, %arg1, %eq3A : i32
    %convert_element_type3A = arith.extui %eq3A_28 : i1 to i32
    %cond3A = arith.constant 0 : i32
    %cond3A_29 = arith.cmpi ne, %convert_element_type3A, %cond3A : i32
    scf.if %cond3A_29 {
      %swap3A = arith.constant 0 : index
      %swap3A_34 = arith.constant 0 : index
      %swap3A_35 = vector.load %arg7[%swap3A, %swap3A_34] : memref<128x768xf32, #tpu.memory_space<vmem>>, vector<128x768xf32>
      tpu.vector_store %arg7[%swap3A, %swap3A_34], %dot_general3A_27 {strides = array<i32>} : memref<128x768xf32, #tpu.memory_space<vmem>>, vector<128x768xf32>,
    } else {
    }
    %ne3A = arith.constant 0 : i32
    %ne3A_30 = arith.cmpi ne, %arg1, %ne3A : i32
    %convert_element_type3A_31 = arith.extui %ne3A_30 : i1 to i32
    %cond3A_32 = arith.constant 0 : i32
    %cond3A_33 = arith.cmpi ne, %convert_element_type3A_31, %cond3A_32 : i32
    scf.if %cond3A_33 {
      %get3A_34 = arith.constant 0 : index
      %get3A_35 = arith.constant 0 : index
      %get3A_36 = vector.load %arg7[%get3A_34, %get3A_35] : memref<128x768xf32, #tpu.memory_space<vmem>>, vector<128x768xf32>
      %add3A = arith.addf %get3A_36, %dot_general3A_27 : vector<128x768xf32>
      %swap3A = arith.constant 0 : index
      %swap3A_37 = arith.constant 0 : index
      %swap3A_38 = vector.load %arg7[%swap3A, %swap3A_37] : memref<128x768xf32, #tpu.memory_space<vmem>>, vector<128x768xf32>
      tpu.vector_store %arg7[%swap3A, %swap3A_37], %add3A {strides = array<i32>} : memref<128x768xf32, #tpu.memory_space<vmem>>, vector<128x768xf32>,
    } else {
    }
    return
  }
  func.func @transform_0(%arg0: i32, %arg1: i32, %arg2: memref<128xi32, #tpu.memory_space<smem>>) -> (i32, i32) {
    %c0_i32 = arith.constant 0 : i32
    %c0_i32_0 = arith.constant 0 : i32
    return %arg0, %c0_i32 : i32, i32
  }
  func.func @transform_1(%arg0: i32, %arg1: i32, %arg2: memref<128xi32, #tpu.memory_space<smem>>) -> (i32, i32, i32) {
    %get3A = arith.index_cast %arg0 : i32 to index
    %get3A_0 = memref.load %arg2[%get3A] : memref<128xi32, #tpu.memory_space<smem>>
    %c0_i32 = arith.constant 0 : i32
    %c0_i32_1 = arith.constant 0 : i32
    return %get3A_0, %c0_i32, %arg1 : i32, i32, i32
  }
  func.func @transform_2(%arg0: i32, %arg1: i32, %arg2: memref<128xi32, #tpu.memory_space<smem>>) -> (i32, i32, i32) {
    %get3A = arith.index_cast %arg0 : i32 to index
    %get3A_0 = memref.load %arg2[%get3A] : memref<128xi32, #tpu.memory_space<smem>>
    %c0_i32 = arith.constant 0 : i32
    %c0_i32_1 = arith.constant 0 : i32
    return %get3A_0, %c0_i32, %arg1 : i32, i32, i32
  }
  func.func @transform_3(%arg0: i32, %arg1: i32, %arg2: memref<128xi32, #tpu.memory_space<smem>>) -> (i32, i32, i32) {
    %get3A = arith.index_cast %arg0 : i32 to index
    %get3A_0 = memref.load %arg2[%get3A] : memref<128xi32, #tpu.memory_space<smem>>
    %c0_i32 = arith.constant 0 : i32
    %c0_i32_1 = arith.constant 0 : i32
    return %get3A_0, %arg1, %c0_i32 : i32, i32, i32
  }
  func.func @transform_4(%arg0: i32, %arg1: i32, %arg2: memref<128xi32, #tpu.memory_space<smem>>) -> (i32, i32) {
    %c0_i32 = arith.constant 0 : i32
    %c0_i32_0 = arith.constant 0 : i32
    return %arg0, %c0_i32 : i32, i32
  }
}

module attributes {stable_mosaic.version = 14 : i64} {
  func.func @_combine_body(%arg0: i32, %arg1: memref<256x768xf32, #tpu.memory_space<vmem>>, %arg2: memref<256x768xf32, #tpu.memory_space<vmem>>, %arg3: memref<256x2xf32, #tpu.memory_space<vmem>>, %arg4: memref<256x768xf32, #tpu.memory_space<vmem>>) attributes {dimension_semantics = [#tpu.dimension_semantics<arbitrary>], iteration_bounds = array<i64: 8>, scalar_prefetch = 0 : i64, scratch_operands = 0 : i64, tpu.core_type = #tpu.core_type<tc>, window_params = [{transform_indices = @transform_0, window_bounds = array<i64: 256, 768>}, {transform_indices = @transform_1, window_bounds = array<i64: 256, 768>}, {transform_indices = @transform_2, window_bounds = array<i64: 256, 2>}, {transform_indices = @transform_3, window_bounds = array<i64: 256, 768>}]} {
    %get3A = arith.constant 0 : index
    %get3A_0 = arith.constant 0 : index
    %get3A_1 = vector.load %arg3[%get3A, %get3A_0] : memref<256x2xf32, #tpu.memory_space<vmem>>, vector<256x1xf32>
    %get3A_2 = arith.constant 0 : index
    %get3A_3 = arith.constant 0 : index
    %get3A_4 = vector.load %arg1[%get3A_2, %get3A_3] : memref<256x768xf32, #tpu.memory_space<vmem>>, vector<256x768xf32>
    %mul3A = vector.broadcast %get3A_1 : vector<256x1xf32> to vector<256x768xf32>
    %mul3A_5 = arith.mulf %mul3A, %get3A_4 : vector<256x768xf32>
    %get3A_6 = arith.constant 0 : index
    %get3A_7 = arith.constant 1 : index
    %get3A_8 = vector.load %arg3[%get3A_6, %get3A_7] : memref<256x2xf32, #tpu.memory_space<vmem>>, vector<256x1xf32>
    %get3A_9 = arith.constant 0 : index
    %get3A_10 = arith.constant 0 : index
    %get3A_11 = vector.load %arg2[%get3A_9, %get3A_10] : memref<256x768xf32, #tpu.memory_space<vmem>>, vector<256x768xf32>
    %mul3A_12 = vector.broadcast %get3A_8 : vector<256x1xf32> to vector<256x768xf32>
    %mul3A_13 = arith.mulf %mul3A_12, %get3A_11 : vector<256x768xf32>
    %add3A = arith.addf %mul3A_5, %mul3A_13 : vector<256x768xf32>
    %swap3A = arith.constant 0 : index
    %swap3A_14 = arith.constant 0 : index
    %swap3A_15 = vector.load %arg4[%swap3A, %swap3A_14] : memref<256x768xf32, #tpu.memory_space<vmem>>, vector<256x768xf32>
    tpu.vector_store %arg4[%swap3A, %swap3A_14], %add3A {strides = array<i32>} : memref<256x768xf32, #tpu.memory_space<vmem>>, vector<256x768xf32>,
    return
  }
  func.func @transform_0(%arg0: i32) -> (i32, i32) {
    %c0_i32 = arith.constant 0 : i32
    %c0_i32_0 = arith.constant 0 : i32
    return %arg0, %c0_i32 : i32, i32
  }
  func.func @transform_1(%arg0: i32) -> (i32, i32) {
    %c0_i32 = arith.constant 0 : i32
    %c0_i32_0 = arith.constant 0 : i32
    return %arg0, %c0_i32 : i32, i32
  }
  func.func @transform_2(%arg0: i32) -> (i32, i32) {
    %c0_i32 = arith.constant 0 : i32
    %c0_i32_0 = arith.constant 0 : i32
    return %arg0, %c0_i32 : i32, i32
  }
  func.func @transform_3(%arg0: i32) -> (i32, i32) {
    %c0_i32 = arith.constant 0 : i32
    %c0_i32_0 = arith.constant 0 : i32
    return %arg0, %c0_i32 : i32, i32
  }
}

</mosaic_0001>

<sc_bundles>
// kernel: kernel.10.cloned.1.call-start
scs
__scs_entry_jumppad:
0x0: {  	(pc) =	sbr.rel $0x88, $3  }
0x1: {  	(tag) =	ssettag $0x0;
	lr =	simm.s32 $0x1  }
0x2: {  	[smem:$0x3F9C] =	sst lr;
	_ =	strace $0xD0000000  }
0x3: {  	_ = 	snop  }
0x4: {  	_ = 	snop  }
0x5: {  	_ = 	snop  }
0x6: {  	_ = 	snop  }
0x7: {  	_ = 	snop  }
__scs_overlays_trampoline_lowered:
0x8: {  	[smem:$0x3FAB] =	sst s0  }
0x9: {  	[smem:$0x3FAC] =	sst s1  }
0xa: {  	[smem:$0x3FAD] =	sst s2  }
0xb: {  	[smem:$0x3FAE] =	sst s3  }
0xc: {  	[smem:$0x3FAF] =	sst s4  }
0xd: {  	[smem:$0x3FB0] =	sst s5  }
0xe: {  	[smem:$0x3FB1] =	sst s6  }
0xf: {  	[smem:$0x3FB2] =	sst s7  }
0x10: {  	[smem:$0x3FB3] =	sst s8  }
0x11: {  	[smem:$0x3FB4] =	sst s9;
	s0 =	simm.s32 @!p0 $0x0  }
0x12: {  	s1 =	sld [smem:$0x3F9A];
	s0 =	simm.s32 @p0 $0x1  }
0x13: {  	[smem:$0x3FB5] =	sst s0;
	s0 =	simm.s32 @!p1 $0x0  }
0x14: {  	s2 =	sld [smem:$0x3F99];
	s0 =	simm.s32 @p1 $0x1  }
0x15: {  	[smem:$0x3FB6] =	sst s0;
	s0 =	simm.s32 @!p2 $0x0  }
0x16: {  	s3 =	sld [smem:$0x3FDB];
	s0 =	simm.s32 @p2 $0x1  }
0x17: {  	s4 =	simm.s32 $0x1BF5;
	[smem:$0x3FB8] =	sst s0  }
0x18: {  	s0 =	sld [smem:$0x3F9B];
	_ =	swait.ge [sflag:s4], $0x0  }
0x19: {  	s7 =	sld [smem:$0x3F9C]  }
0x1a: {  	s8 =	sadd.s32 $0xFFFFE003, lr  }
0x1b: {  	s9 =	sadd.s32 $0xFFFFFEF7, lr;
	s5 =	simm.s32 $0xFFFFFFFF;
	p2 =	slt.u32 s8, $0xFFFFF086  }
0x1c: {  	p1 =	slt.u32 s9, $0xF7A;
	s5 =	simm.s32 @!p2 $0x0  }
0x1d: {  	s5 =	simm.s32 @p1 $0x1;
	p0 =	seq.s32 s7, s2  }
0x1e: {  	s7 =	smul.u32 @!p0 $0xF7A, s2;
	p2 =	seq.s32 @!p0 s5, $0x0  }
0x1f: {  	s9 =	smul.u32 $0xF7A, s1;
	s8 =	simm.s32 @!p0 $0x1BF5;
	p2 =	por !p2, p0  }
0x20: {  	[sflag:s8] =	ssyncset.s32 @!p0 $0xFFFFF086;
	s6 =	sadd.s32 @!p0 s3, s7;
	s7 =	simm.s32 @!p0 $0x108  }
0x21: {  	s3 =	sadd.s32 s3, s9;
	s6 =	sadd.s32 @!p0 $0x88, s6;
	s7 =	simm.s32 @p2 $0x1082  }
0x22: {  	[simem:s7], [sflag:s8] =	dma.local @!p0 [hbm:s6], $0xF7A  }
0x23: {  	s9 =	sor.u32 $0xD0000000, s2;
	s6 =	simm.s32 $0x108;
	_ =	swait.ge @!p0 [sflag:s8], $0x0  }
0x24: {  	s3 =	sadd.s32 $0x88, s3;
	s6 =	simm.s32 @!p1 $0x1082;
	[sflag:s4] =	ssyncset.s32 $0xFFFFF086  }
0x25: {  	[simem:s6], [sflag:s4] =	dma.local [hbm:s3], $0xF7A  }
0x26: {  	[smem:$0x3F9C] =	sst s1;
	(tag) =	ssettag s2;
	_ =	strace s9  }
0x27: {  	s1 =	sld [smem:$0x3FAC]  }
0x28: {  	s2 =	sld [smem:$0x3FAD]  }
0x29: {  	s4 =	sld [smem:$0x3FAF]  }
0x2a: {  	p0 =	seq.s32 s5, $0x0;
	s5 =	sld [smem:$0x3FB0]  }
0x2b: {  	s6 =	sld [smem:$0x3FB1]  }
0x2c: {  	s7 =	sld [smem:$0x3FB2]  }
0x2d: {  	s3 =	simm.s32 $0x108;
	s8 =	sld [smem:$0x3FB3]  }
0x2e: {  	s3 =	simm.s32 @!p0 $0x1082;
	s9 =	sld [smem:$0x3FB4]  }
0x2f: {  	lr =	sadd.s32 s0, s3;
	s0 =	sld [smem:$0x3FAB]  }
0x30: {  	s3 =	sld [smem:$0x3FAE]  }
0x31: {  	[smem:$0x3FB7] =	sst s10  }
0x32: {  	s10 =	sld [smem:$0x3FB5];
	_ =	sdelay $0x3  }
0x33: {  	p0 =	seq.s32 s10, $0x1;
	s10 =	sld [smem:$0x3FB7];
	_ =	sdelay $0x3  }
0x34: {  	[smem:$0x3FB7] =	sst s10  }
0x35: {  	s10 =	sld [smem:$0x3FB6];
	_ =	sdelay $0x3  }
0x36: {  	p1 =	seq.s32 s10, $0x1;
	s10 =	sld [smem:$0x3FB7];
	_ =	sdelay $0x3  }
0x37: {  	[smem:$0x3FB7] =	sst s10  }
0x38: {  	s10 =	sld [smem:$0x3FB8]  }
0x39: {  	_ = 	snop;
	(pc) =	sbr.ind lr, $3  }
0x3a: {  	_ = 	snop  }
0x3b: {  	_ = 	snop  }
0x3c: {  	p2 =	seq.s32 s10, $0x1;
	s10 =	sld [smem:$0x3FB7]  }
0x3d: {  	_ =	shalt  }
0x3e: {  	_ =	shalt  }
0x3f: {  	_ =	shalt  }
0x40: {  	_ =	shalt  }
0x41: {  	_ =	shalt  }
0x42: {  	_ =	shalt  }
0x43: {  	_ =	shalt  }
0x44: {  	_ =	shalt  }
0x45: {  	_ =	shalt  }
0x46: {  	_ =	shalt  }
0x47: {  	_ =	shalt  }
0x48: {  	_ =	shalt  }
0x49: {  	_ =	shalt  }
0x4a: {  	_ =	shalt  }
0x4b: {  	_ =	shalt  }
0x4c: {  	_ =	shalt  }
0x4d: {  	_ =	shalt  }
0x4e: {  	_ =	shalt  }
0x4f: {  	_ =	shalt  }
0x50: {  	_ =	shalt  }
0x51: {  	_ =	shalt  }
0x52: {  	_ =	shalt  }
0x53: {  	_ =	shalt  }
0x54: {  	_ =	shalt  }
0x55: {  	_ =	shalt  }
0x56: {  	_ =	shalt  }
0x57: {  	_ =	shalt  }
0x58: {  	_ =	shalt  }
0x59: {  	_ =	shalt  }
0x5a: {  	_ =	shalt  }
0x5b: {  	_ =	shalt  }
0x5c: {  	_ =	shalt  }
0x5d: {  	_ =	shalt  }
0x5e: {  	_ =	shalt  }
0x5f: {  	_ =	shalt  }
0x60: {  	_ =	shalt  }
0x61: {  	_ =	shalt  }
0x62: {  	_ =	shalt  }
0x63: {  	_ =	shalt  }
0x64: {  	_ =	shalt  }
0x65: {  	_ =	shalt  }
0x66: {  	_ =	shalt  }
0x67: {  	_ =	shalt  }
0x68: {  	_ =	shalt  }
0x69: {  	_ =	shalt  }
0x6a: {  	_ =	shalt  }
0x6b: {  	_ =	shalt  }
0x6c: {  	_ =	shalt  }
0x6d: {  	_ =	shalt  }
0x6e: {  	_ =	shalt  }
0x6f: {  	_ =	shalt  }
0x70: {  	_ =	shalt  }
0x71: {  	_ =	shalt  }
0x72: {  	_ =	shalt  }
0x73: {  	_ =	shalt  }
0x74: {  	_ =	shalt  }
0x75: {  	_ =	shalt  }
0x76: {  	_ =	shalt  }
0x77: {  	_ =	shalt  }
0x78: {  	_ =	shalt  }
0x79: {  	_ =	shalt  }
0x7a: {  	_ =	shalt  }
0x7b: {  	_ =	shalt  }
0x7c: {  	_ =	shalt  }
0x7d: {  	_ =	shalt  }
0x7e: {  	_ =	shalt  }
0x7f: {  	_ =	shalt  }
0x80: {  	_ =	shalt  }
0x81: {  	_ =	shalt  }
0x82: {  	_ =	shalt  }
0x83: {  	_ =	shalt  }
0x84: {  	_ =	shalt  }
0x85: {  	_ =	shalt  }
0x86: {  	_ =	shalt  }
0x87: {  	_ =	shalt  }
.Lfunc_end0:
.L_simem_size_0:
called_computation.1_lowered:
.L_overlay_start_0:
0x88: {  	s2 =	sld [smem:$0x3FD9]  }
0x89: {  	s3 =	sld [smem:$0x3FFE];
	_ =	sdelay $0x1  }
0x8a: {  	s1 =	srdreg.scid  }
0x8b: {  	s0 =	sand.u32 $0x1, s1  }
0x8c: {  	s14 =	sshll.u32 s0, $0xA;
	s2 =	sadd.s32 s3, s2  }
0x8d: {  	s2 =	sadd.s32 s2, s14  }
0x8e: {  	[smem:$0x3FC3] =	sst s2  }
0x8f: {  	_ = 	snop  }
0x90: {  	s2 =	sld [smem:$0x3FD0];
	_ =	sdelay $0x2  }
0x91: {  	s15 =	simm.s32 $0xA;
	s4 =	simm.s32 $0x10  }
0x92: {  	[smem:s4], [sflag:s15] =	dma.local [hbm:s2], $0x1  }
0x93: {  	_ =	swait.eq [sflag:s15], $0x1  }
0x94: {  	[sflag:s15] =	ssyncset.done $0x0  }
0x95: {  	[sflag:s15] =	ssyncadd.s32 $0xFFFFFFFF  }
0x96: {  	s16 =	sld [smem:$0x10];
	(tm) =	ssettm $0x1  }
0x97: {  	s17 =	sld [smem:$0x3FFB];
	_ =	sdelay $0x3  }
0x98: {  	_ =	strace s17  }
0x99: {  	s3 =	sld [smem:$0x3FFC];
	_ =	sdelay $0x3  }
0x9a: {  	_ =	strace s3  }
0x9b: {  	s3 =	sld [smem:$0x3FFD];
	_ =	sdelay $0x3  }
0x9c: {  	_ =	strace s3  }
0x9d: {  	_ =	strace $0x8FFFFFFF  }
0x9e: {  	s18 =	sld [smem:$0x3FDB];
	_ =	sdelay $0x1  }
0x9f: {  	s19 =	simm.s32 $_scs_section_size  }
0xa0: {  	s5 =	simm.s32 $_size__tile_overlayer_lowered;
	s6 =	simm.s32 $_tile_overlayer_lowered  }
0xa1: {  	s22 =	simm.s32 $0x1BFF;
	s21 =	sshll.u32 s6, $0x1;
	s3 =	sadd.s32 s19, s18  }
0xa2: {  	s7 =	simm.s32 $0x0;
	s20 =	sshll.u32 s5, $0x1;
	s5 =	sadd.s32 s21, s3  }
0xa3: {  	[timem:s7], [sflag:s22] =	dma.local [hbm:s5], s20  }
0xa4: {  	_ =	swait.ge [sflag:s22], s20  }
0xa5: {  	s4 =	ssub.s32 $0x0, s20;
	[sflag:s22] =	ssyncset.done $0x0  }
0xa6: {  	[sflag:s22] =	ssyncadd.s32 s4;
	_ =	sdelay $0x1  }
0xa7: {  	s23 =	simm.s32 $0x1B8B  }
0xa8: {  	_ =	swait.ge [sflag:s23], $0x1  }
0xa9: {  	[sflag:s23] =	ssyncset.done $0x0  }
0xaa: {  	s25 =	simm.s32 $0x1B8E;
	s24 =	sld [smem:$0x3FFE];
	[sflag:s23] =	ssyncadd.s32 $0xFFFFFFFF  }
0xab: {  	s26 =	simm.s32 $execute0_lowered;
	[smem:$0x3FD2] =	sst s25  }
0xac: {  	s5 =	sshll.u32 s26, $0x1;
	_ =	strace $0x80000049;
	[dreg:$0x1] =	wrdreg $0xFFFFFFFF  }
0xad: {  	s28 =	simm.s32 $_size_execute0_lowered;
	s3 =	sadd.s32 s3, s5;
	[dreg:$0x0] =	wrdreg $0x0  }
0xae: {  	s5 =	sshll.u32 s28, $0x1;
	[dreg:$0x2] =	wrdreg s3  }
0xaf: {  	[dreg:$0x3] =	wrdreg s5  }
0xb0: {  	[dreg:$0x4] =	wrdreg $0xC0  }
0xb1: {  	_ =	task [dreg:s7], $0x5FFFF  }
0xb2: {  	[dreg:$0x1] =	wrdreg $0xFFFFFFFF  }
0xb3: {  	[dreg:$0x0] =	wrdreg $0x60  }
0xb4: {  	[dreg:$0x2] =	wrdreg s24  }
0xb5: {  	[dreg:$0x3] =	wrdreg s16  }
0xb6: {  	[dreg:$0x4] =	wrdreg $0x9  }
0xb7: {  	_ =	task.clear_ibuf [dreg:s7], $0x5FFFF;
	_ =	strace $0x90000049  }
0xb8: {  	s29 =	simm.s32 $0x9;
	_ =	strace $0x8000004B  }
0xb9: {  	_ =	swait.ge [sflag:s29], $0x1  }
0xba: {  	[sflag:s29] =	ssyncadd.s32 $0xFFFFFFFF  }
0xbb: {  	_ =	strace $0x9000004B  }
0xbc: {  	_ =	sfence  }
0xbd: {  	s30 =	sld [smem:$0x0];
	_ =	sdelay $0x2  }
0xbe: {  	s31 =	sshll.u32 s1, $0xD;
	s1 =	sshrl.u32 s1, $0x2  }
0xbf: {  	s3 =	sand.u32 $0x4000, s31;
	s1 =	sadd.s32 s1, s30  }
0xc0: {  	s0 =	sor.u32 s3, s0;
	s1 =	sshll.u32 s1, $0x11  }
0xc1: {  	s0 =	sor.u32 s1, s0  }
0xc2: {  	s0 =	sadd.s32 $0x8F2B, s0  }
0xc3: {  	[sflag:s0] =	ssyncadd.remote.s32 $0x1  }
0xc4: {  	_ =	sfence.sel $0xFFFF  }
0xc5: {  	[dreg:$0x0] =	wrdreg $0xFFFFFFFF;
	(pc) =	sbr.abs _section_cstart, $3  }
0xc6: {  	[dreg:$0x1] =	wrdreg $0xFFFFFFFF  }
0xc7: {  	_ =	task.clear_ibuf [dreg:s7], $0x2FFFF;
	_ =	strace $0x9FFFFFFF  }
0xc8: {  	(tm) =	ssettm $0x7FFFFFFF  }
0xc9: {  	_ =	shalt  }
tec
execute0_lowered:
.L_overlay_start_1:
0x0: {  	(tag) =	ssettag $0x1  }
0x1: {  	s0 =	srdreg.scid;
	s1 =	rddreg [dreg:$0x0]  }
0x2: {  	s2 =	stileid.u32;
	s4 =	rddreg [dreg:$0x1];
	s10 =	simm.s32 $0x880  }
0x3: {  	s11 =	simm.s32 $0x1080;
	s12 =	simm.s32 $0x1880;
	s13 =	simm.s32 $0x2080  }
0x4: {  	s14 =	simm.s32 $0x2880;
	s15 =	simm.s32 $0x3080;
	s16 =	simm.s32 $0x3880  }
0x5: {  	s17 =	simm.s32 $0x4080;
	s18 =	simm.s32 $0x4880;
	s19 =	simm.s32 $0x5080  }
0x6: {  	s20 =	simm.s32 $0x5880;
	s21 =	simm.s32 $0x6080;
	s22 =	simm.s32 $0x6880  }
0x7: {  	s23 =	simm.s32 $0x7080;
	s28 =	simm.s32 $0x9080;
	s29 =	simm.s32 $0x9880  }
0x8: {  	s30 =	simm.s32 $0xA080;
	s31 =	simm.s32 $0xA880;
	s0 =	sand.u32 $0x1, s0  }
0x9: {  	s3 =	sshll.u32 s2, $0x4;
	s2 =	simm.s32 $0x0;
	s5 =	sshll.u32 s0, $0x3  }
0xa: {  	[smem:$0x7FF] =	sst s2;
	s0 =	ssub.s32 $0x2, s0;
	s3 =	sor.u32 s5, s3  }
0xb: {  	_ =	strace $0x8000004A;
	s24 =	sshrl.u32 s0, $0x1;
	s5 =	smul.u32 $0x300, s3  }
0xc: {  	s6 =	sadd.s32 s3, s1;
	s3 =	sadd.s32 $0x1000, s1;
	s0 =	ssub.s32 s0, s24  }
0xd: {  	s24 =	simm.s32 $0x7880;
	s8 =	sadd.s32 $0x79400, s6;
	s25 =	sadd.s32 $0x79200, s6  }
0xe: {  	s6 =	smax.u32 s0, $0x1;
	s0 =	simm.s32 $0x1;
	[dreg:$0x3] =	wrdreg s8  }
0xf: {  	s7 =	sadd.s32 s5, s1;
	s4 =	sadd.s32 s4, s5;
	[dreg:$0x5] =	wrdreg s25  }
0x10: {  	v2 =	vlaneseq.u32;
	s5 =	sadd.s32 $0x1200, s1;
	s25 =	simm.s32 $0x8080;
	[dreg:$0x4] =	wrdreg s4  }
0x11: {  	vm0 =	vmmov $0xffff;
	v1 =	vshrl.u32 v2, $0x3;
	s26 =	sadd.s32 $0x79600, s7;
	s4 =	sadd.s32 $0x1100, s1;
	s7 =	simm.s32 $0x2  }
0x12: {  	v0 =	vand.u32 $0x7, v2;
	v2 =	vor.u32 $0x8, v2;
	v1 =	vmul.u32 $0x8, v1;
	s1 =	simm.s32 $0x80;
	[dreg:$0x6] =	wrdreg s26;
	s26 =	simm.s32 $0x8880  }
.LBB2_1:
0x13: {  	s9 =	rddreg [dreg:$0x3]  }
0x14: {  	[tilespmem:s2], [sflag:$0x2] =	stream.linear.gather [hbm4b:s9+s2], $0x40, $0x38;
	[tilespmem:$0xC080] =	vst v63  }
0x15: {  	_ =	swait.ge [sflag:s7], $0x40  }
0x16: {  	[sflag:s7] =	ssyncset.done $0x0  }
0x17: {  	[sflag:s7] =	ssyncadd.s32 $0xFFFFFFC0  }
0x18: {  	v3 =	vld [tilespmem:$0x0];
	_ =	sdelay $0x4  }
0x19: {  	v4 =	vshrl.u32 v3, $0x3  }
0x1a: {  	v4 =	vmul.u32 $0x30, v4  }
0x1b: {  	v3 =	vand.u32 $0x7, v3  }
0x1c: {  	v3 =	vor.u32 v3, v4  }
0x1d: {  	v4 =	vperm.xlane v3, v0;
	_ =	sdelay $0x1  }
0x1e: {  	v4 =	vadd.s32 v1, v4;
	_ =	sdelay $0x3  }
0x1f: {  	v3 =	vperm.xlane v3, v2  }
0x20: {  	[tilespmem:s1], [sflag:$0x1] =	stream.indirect_vreg.gather [hbm4b:s3+s2], $0x80, v4, vm0, $0xb8;
	[tilespmem:$0xC080] =	vst v63  }
0x21: {  	v3 =	vadd.s32 v1, v3  }
0x22: {  	[tilespmem:s10], [sflag:$0x1] =	stream.indirect_vreg.gather [hbm4b:s4+s2], $0x80, v4, vm0, $0xb8;
	[tilespmem:$0xC080] =	vst v63  }
0x23: {  	_ = 	snop  }
0x24: {  	[tilespmem:s11], [sflag:$0x1] =	stream.indirect_vreg.gather [hbm4b:s5+s2], $0x80, v4, vm0, $0xb8;
	[tilespmem:$0xC080] =	vst v63  }
0x25: {  	_ = 	snop  }
0x26: {  	[tilespmem:s12], [sflag:$0x1] =	stream.indirect_vreg.gather [hbm4b:s3+s2], $0x80, v3, vm0, $0xb8;
	[tilespmem:$0xC080] =	vst v63  }
0x27: {  	_ = 	snop  }
0x28: {  	[tilespmem:s13], [sflag:$0x1] =	stream.indirect_vreg.gather [hbm4b:s4+s2], $0x80, v3, vm0, $0xb8;
	[tilespmem:$0xC080] =	vst v63  }
0x29: {  	_ = 	snop  }
0x2a: {  	[tilespmem:s14], [sflag:$0x1] =	stream.indirect_vreg.gather [hbm4b:s5+s2], $0x80, v3, vm0, $0xb8;
	[tilespmem:$0xC080] =	vst v63  }
0x2b: {  	v3 =	vld [tilespmem:$0x10];
	_ =	sdelay $0x4  }
0x2c: {  	v57 =	vshrl.u32 v3, $0x3  }
0x2d: {  	v4 =	vmul.u32 $0x30, v57  }
0x2e: {  	v3 =	vand.u32 $0x7, v3  }
0x2f: {  	v3 =	vor.u32 v3, v4  }
0x30: {  	v4 =	vperm.xlane v3, v0;
	_ =	sdelay $0x1  }
0x31: {  	v4 =	vadd.s32 v1, v4;
	_ =	sdelay $0x3  }
0x32: {  	v3 =	vperm.xlane v3, v2  }
0x33: {  	[tilespmem:s15], [sflag:$0x1] =	stream.indirect_vreg.gather [hbm4b:s3+s2], $0x80, v4, vm0, $0xb8;
	[tilespmem:$0xC080] =	vst v63  }
0x34: {  	v3 =	vadd.s32 v1, v3  }
0x35: {  	[tilespmem:s16], [sflag:$0x1] =	stream.indirect_vreg.gather [hbm4b:s4+s2], $0x80, v4, vm0, $0xb8;
	[tilespmem:$0xC080] =	vst v63  }
0x36: {  	_ = 	snop  }
0x37: {  	[tilespmem:s17], [sflag:$0x1] =	stream.indirect_vreg.gather [hbm4b:s5+s2], $0x80, v4, vm0, $0xb8;
	[tilespmem:$0xC080] =	vst v63  }
0x38: {  	_ = 	snop  }
0x39: {  	[tilespmem:s18], [sflag:$0x1] =	stream.indirect_vreg.gather [hbm4b:s3+s2], $0x80, v3, vm0, $0xb8;
	[tilespmem:$0xC080] =	vst v63  }
0x3a: {  	_ = 	snop  }
0x3b: {  	[tilespmem:s19], [sflag:$0x1] =	stream.indirect_vreg.gather [hbm4b:s4+s2], $0x80, v3, vm0, $0xb8;
	[tilespmem:$0xC080] =	vst v63  }
0x3c: {  	_ = 	snop  }
0x3d: {  	[tilespmem:s20], [sflag:$0x1] =	stream.indirect_vreg.gather [hbm4b:s5+s2], $0x80, v3, vm0, $0xb8;
	[tilespmem:$0xC080] =	vst v63  }
0x3e: {  	v3 =	vld [tilespmem:$0x20];
	_ =	sdelay $0x4  }
0x3f: {  	v58 =	vshrl.u32 v3, $0x3  }
0x40: {  	v4 =	vmul.u32 $0x30, v58  }
0x41: {  	v3 =	vand.u32 $0x7, v3  }
0x42: {  	v3 =	vor.u32 v3, v4  }
0x43: {  	v4 =	vperm.xlane v3, v0;
	_ =	sdelay $0x1  }
0x44: {  	v4 =	vadd.s32 v1, v4;
	_ =	sdelay $0x3  }
0x45: {  	v3 =	vperm.xlane v3, v2  }
0x46: {  	[tilespmem:s21], [sflag:$0x1] =	stream.indirect_vreg.gather [hbm4b:s3+s2], $0x80, v4, vm0, $0xb8;
	[tilespmem:$0xC080] =	vst v63  }
0x47: {  	v3 =	vadd.s32 v1, v3  }
0x48: {  	[tilespmem:s22], [sflag:$0x1] =	stream.indirect_vreg.gather [hbm4b:s4+s2], $0x80, v4, vm0, $0xb8;
	[tilespmem:$0xC080] =	vst v63  }
0x49: {  	_ = 	snop  }
0x4a: {  	[tilespmem:s23], [sflag:$0x1] =	stream.indirect_vreg.gather [hbm4b:s5+s2], $0x80, v4, vm0, $0xb8;
	[tilespmem:$0xC080] =	vst v63  }
0x4b: {  	_ = 	snop  }
0x4c: {  	[tilespmem:s24], [sflag:$0x1] =	stream.indirect_vreg.gather [hbm4b:s3+s2], $0x80, v3, vm0, $0xb8;
	[tilespmem:$0xC080] =	vst v63  }
0x4d: {  	_ = 	snop  }
0x4e: {  	[tilespmem:s25], [sflag:$0x1] =	stream.indirect_vreg.gather [hbm4b:s4+s2], $0x80, v3, vm0, $0xb8;
	[tilespmem:$0xC080] =	vst v63  }
0x4f: {  	_ = 	snop  }
0x50: {  	[tilespmem:s26], [sflag:$0x1] =	stream.indirect_vreg.gather [hbm4b:s5+s2], $0x80, v3, vm0, $0xb8;
	[tilespmem:$0xC080] =	vst v63  }
0x51: {  	v3 =	vld [tilespmem:$0x30];
	_ =	sdelay $0x4  }
0x52: {  	v59 =	vshrl.u32 v3, $0x3  }
0x53: {  	v4 =	vmul.u32 $0x30, v59  }
0x54: {  	v3 =	vand.u32 $0x7, v3  }
0x55: {  	v3 =	vor.u32 v3, v4  }
0x56: {  	v4 =	vperm.xlane v3, v0;
	_ =	sdelay $0x1  }
0x57: {  	v4 =	vadd.s32 v1, v4;
	_ =	sdelay $0x3  }
0x58: {  	v3 =	vperm.xlane v3, v2  }
0x59: {  	[tilespmem:s28], [sflag:$0x1] =	stream.indirect_vreg.gather [hbm4b:s3+s2], $0x80, v4, vm0, $0xb8;
	[tilespmem:$0xC080] =	vst v63  }
0x5a: {  	v3 =	vadd.s32 v1, v3  }
0x5b: {  	[tilespmem:s29], [sflag:$0x1] =	stream.indirect_vreg.gather [hbm4b:s4+s2], $0x80, v4, vm0, $0xb8;
	[tilespmem:$0xC080] =	vst v63  }
0x5c: {  	_ = 	snop  }
0x5d: {  	[tilespmem:s30], [sflag:$0x1] =	stream.indirect_vreg.gather [hbm4b:s5+s2], $0x80, v4, vm0, $0xb8;
	[tilespmem:$0xC080] =	vst v63  }
0x5e: {  	_ = 	snop  }
0x5f: {  	[tilespmem:s31], [sflag:$0x1] =	stream.indirect_vreg.gather [hbm4b:s3+s2], $0x80, v3, vm0, $0xb8;
	[tilespmem:$0xC080] =	vst v63  }
0x60: {  	s8 =	simm.s32 $0xB080  }
0x61: {  	[tilespmem:s8], [sflag:$0x1] =	stream.indirect_vreg.gather [hbm4b:s4+s2], $0x80, v3, vm0, $0xb8;
	[tilespmem:$0xC080] =	vst v63  }
0x62: {  	s8 =	simm.s32 $0xB880  }
0x63: {  	[tilespmem:s8], [sflag:$0x1] =	stream.indirect_vreg.gather [hbm4b:s5+s2], $0x80, v3, vm0, $0xb8;
	[tilespmem:$0xC080] =	vst v63  }
0x64: {  	_ =	swait.ge [sflag:s0], $0xC000  }
0x65: {  	[sflag:s0] =	ssyncset.done $0x0  }
0x66: {  	s9 =	rddreg [dreg:$0x4];
	[sflag:s0] =	ssyncadd.s32 $0xFFFF4000  }
0x67: {  	[hbm4b:s9+s2] =	stream.linear.scatter [tilespmem:s1], [sflag:$0x2], $0xC000, $0x38;
	[tilespmem:$0xC080] =	vst v63  }
0x68: {  	_ =	swait.ge [sflag:s7], $0xC000  }
0x69: {  	[sflag:s7] =	ssyncset.done $0x0  }
0x6a: {  	s9 =	rddreg [dreg:$0x5];
	[sflag:s7] =	ssyncadd.s32 $0xFFFF4000  }
0x6b: {  	[tilespmem:s2], [sflag:$0x2] =	stream.linear.gather [hbm4b:s9+s2], $0x40, $0x38;
	[tilespmem:$0xC080] =	vst v63  }
0x6c: {  	_ =	swait.ge [sflag:s7], $0x40  }
0x6d: {  	[sflag:s7] =	ssyncset.done $0x0  }
0x6e: {  	[sflag:s7] =	ssyncadd.s32 $0xFFFFFFC0  }
0x6f: {  	v3 =	vld [tilespmem:$0x0];
	_ =	sdelay $0x4  }
0x70: {  	v60 =	vshrl.u32 v3, $0x3  }
0x71: {  	v4 =	vmul.u32 $0x30, v60  }
0x72: {  	v3 =	vand.u32 $0x7, v3  }
0x73: {  	v3 =	vor.u32 v3, v4  }
0x74: {  	v4 =	vperm.xlane v3, v0;
	_ =	sdelay $0x1  }
0x75: {  	v4 =	vadd.s32 v1, v4;
	_ =	sdelay $0x3  }
0x76: {  	v3 =	vperm.xlane v3, v2  }
0x77: {  	[tilespmem:s1], [sflag:$0x1] =	stream.indirect_vreg.gather [hbm4b:s3+s2], $0x80, v4, vm0, $0xb8;
	[tilespmem:$0xC080] =	vst v63  }
0x78: {  	v3 =	vadd.s32 v1, v3  }
0x79: {  	[tilespmem:s10], [sflag:$0x1] =	stream.indirect_vreg.gather [hbm4b:s4+s2], $0x80, v4, vm0, $0xb8;
	[tilespmem:$0xC080] =	vst v63  }
0x7a: {  	_ = 	snop  }
0x7b: {  	[tilespmem:s11], [sflag:$0x1] =	stream.indirect_vreg.gather [hbm4b:s5+s2], $0x80, v4, vm0, $0xb8;
	[tilespmem:$0xC080] =	vst v63  }
0x7c: {  	_ = 	snop  }
0x7d: {  	[tilespmem:s12], [sflag:$0x1] =	stream.indirect_vreg.gather [hbm4b:s3+s2], $0x80, v3, vm0, $0xb8;
	[tilespmem:$0xC080] =	vst v63  }
0x7e: {  	_ = 	snop  }
0x7f: {  	[tilespmem:s13], [sflag:$0x1] =	stream.indirect_vreg.gather [hbm4b:s4+s2], $0x80, v3, vm0, $0xb8;
	[tilespmem:$0xC080] =	vst v63  }
0x80: {  	_ = 	snop  }
0x81: {  	[tilespmem:s14], [sflag:$0x1] =	stream.indirect_vreg.gather [hbm4b:s5+s2], $0x80, v3, vm0, $0xb8;
	[tilespmem:$0xC080] =	vst v63  }
0x82: {  	v3 =	vld [tilespmem:$0x10];
	_ =	sdelay $0x4  }
0x83: {  	v61 =	vshrl.u32 v3, $0x3  }
0x84: {  	v4 =	vmul.u32 $0x30, v61  }
0x85: {  	v3 =	vand.u32 $0x7, v3  }
0x86: {  	v3 =	vor.u32 v3, v4  }
0x87: {  	v4 =	vperm.xlane v3, v0;
	_ =	sdelay $0x1  }
0x88: {  	v4 =	vadd.s32 v1, v4;
	_ =	sdelay $0x3  }
0x89: {  	v3 =	vperm.xlane v3, v2  }
0x8a: {  	[tilespmem:s15], [sflag:$0x1] =	stream.indirect_vreg.gather [hbm4b:s3+s2], $0x80, v4, vm0, $0xb8;
	[tilespmem:$0xC080] =	vst v63  }
0x8b: {  	v3 =	vadd.s32 v1, v3  }
0x8c: {  	[tilespmem:s16], [sflag:$0x1] =	stream.indirect_vreg.gather [hbm4b:s4+s2], $0x80, v4, vm0, $0xb8;
	[tilespmem:$0xC080] =	vst v63  }
0x8d: {  	_ = 	snop  }
0x8e: {  	[tilespmem:s17], [sflag:$0x1] =	stream.indirect_vreg.gather [hbm4b:s5+s2], $0x80, v4, vm0, $0xb8;
	[tilespmem:$0xC080] =	vst v63  }
0x8f: {  	_ = 	snop  }
0x90: {  	[tilespmem:s18], [sflag:$0x1] =	stream.indirect_vreg.gather [hbm4b:s3+s2], $0x80, v3, vm0, $0xb8;
	[tilespmem:$0xC080] =	vst v63  }
0x91: {  	_ = 	snop  }
0x92: {  	[tilespmem:s19], [sflag:$0x1] =	stream.indirect_vreg.gather [hbm4b:s4+s2], $0x80, v3, vm0, $0xb8;
	[tilespmem:$0xC080] =	vst v63  }
0x93: {  	_ = 	snop  }
0x94: {  	[tilespmem:s20], [sflag:$0x1] =	stream.indirect_vreg.gather [hbm4b:s5+s2], $0x80, v3, vm0, $0xb8;
	[tilespmem:$0xC080] =	vst v63  }
0x95: {  	v3 =	vld [tilespmem:$0x20];
	_ =	sdelay $0x4  }
0x96: {  	v62 =	vshrl.u32 v3, $0x3  }
0x97: {  	v4 =	vmul.u32 $0x30, v62  }
0x98: {  	v3 =	vand.u32 $0x7, v3  }
0x99: {  	v3 =	vor.u32 v3, v4  }
0x9a: {  	v4 =	vperm.xlane v3, v0;
	_ =	sdelay $0x1  }
0x9b: {  	v4 =	vadd.s32 v1, v4;
	_ =	sdelay $0x3  }
0x9c: {  	v3 =	vperm.xlane v3, v2  }
0x9d: {  	[tilespmem:s21], [sflag:$0x1] =	stream.indirect_vreg.gather [hbm4b:s3+s2], $0x80, v4, vm0, $0xb8;
	[tilespmem:$0xC080] =	vst v63  }
0x9e: {  	v3 =	vadd.s32 v1, v3  }
0x9f: {  	[tilespmem:s22], [sflag:$0x1] =	stream.indirect_vreg.gather [hbm4b:s4+s2], $0x80, v4, vm0, $0xb8;
	[tilespmem:$0xC080] =	vst v63  }
0xa0: {  	_ = 	snop  }
0xa1: {  	[tilespmem:s23], [sflag:$0x1] =	stream.indirect_vreg.gather [hbm4b:s5+s2], $0x80, v4, vm0, $0xb8;
	[tilespmem:$0xC080] =	vst v63  }
0xa2: {  	_ = 	snop  }
0xa3: {  	[tilespmem:s24], [sflag:$0x1] =	stream.indirect_vreg.gather [hbm4b:s3+s2], $0x80, v3, vm0, $0xb8;
	[tilespmem:$0xC080] =	vst v63  }
0xa4: {  	_ = 	snop  }
0xa5: {  	[tilespmem:s25], [sflag:$0x1] =	stream.indirect_vreg.gather [hbm4b:s4+s2], $0x80, v3, vm0, $0xb8;
	[tilespmem:$0xC080] =	vst v63  }
0xa6: {  	_ = 	snop  }
0xa7: {  	[tilespmem:s26], [sflag:$0x1] =	stream.indirect_vreg.gather [hbm4b:s5+s2], $0x80, v3, vm0, $0xb8;
	[tilespmem:$0xC080] =	vst v63  }
0xa8: {  	v3 =	vld [tilespmem:$0x30];
	_ =	sdelay $0x4  }
0xa9: {  	v63 =	vshrl.u32 v3, $0x3  }
0xaa: {  	v4 =	vmul.u32 $0x30, v63  }
0xab: {  	v3 =	vand.u32 $0x7, v3  }
0xac: {  	v3 =	vor.u32 v3, v4  }
0xad: {  	v4 =	vperm.xlane v3, v0;
	_ =	sdelay $0x1  }
0xae: {  	v4 =	vadd.s32 v1, v4;
	_ =	sdelay $0x3  }
0xaf: {  	v3 =	vperm.xlane v3, v2  }
0xb0: {  	[tilespmem:s28], [sflag:$0x1] =	stream.indirect_vreg.gather [hbm4b:s3+s2], $0x80, v4, vm0, $0xb8;
	[tilespmem:$0xC080] =	vst v63  }
0xb1: {  	v3 =	vadd.s32 v1, v3  }
0xb2: {  	[tilespmem:s29], [sflag:$0x1] =	stream.indirect_vreg.gather [hbm4b:s4+s2], $0x80, v4, vm0, $0xb8;
	[tilespmem:$0xC080] =	vst v63  }
0xb3: {  	_ = 	snop  }
0xb4: {  	[tilespmem:s30], [sflag:$0x1] =	stream.indirect_vreg.gather [hbm4b:s5+s2], $0x80, v4, vm0, $0xb8;
	[tilespmem:$0xC080] =	vst v63  }
0xb5: {  	_ = 	snop  }
0xb6: {  	[tilespmem:s31], [sflag:$0x1] =	stream.indirect_vreg.gather [hbm4b:s3+s2], $0x80, v3, vm0, $0xb8;
	[tilespmem:$0xC080] =	vst v63  }
0xb7: {  	s9 =	simm.s32 $0xB080  }
0xb8: {  	[tilespmem:s9], [sflag:$0x1] =	stream.indirect_vreg.gather [hbm4b:s4+s2], $0x80, v3, vm0, $0xb8;
	[tilespmem:$0xC080] =	vst v63  }
0xb9: {  	_ = 	snop  }
0xba: {  	[tilespmem:s8], [sflag:$0x1] =	stream.indirect_vreg.gather [hbm4b:s5+s2], $0x80, v3, vm0, $0xb8;
	[tilespmem:$0xC080] =	vst v63  }
0xbb: {  	_ =	swait.ge [sflag:s0], $0xC000  }
0xbc: {  	p0 =	sne.s32 s6, $0x1;
	[sflag:s0] =	ssyncset.done $0x0  }
.Ltmp0:
0xbd: {  	s8 =	rddreg [dreg:$0x6];
	[sflag:s0] =	ssyncadd.s32 $0xFFFF4000;
	(pc) =	sbr.rel @p0 .LBB2_1-.Ltmp0, $4  }
0xbe: {  	[hbm4b:s8+s2] =	stream.linear.scatter [tilespmem:s1], [sflag:$0x2], $0xC000, $0x38;
	[tilespmem:$0xC080] =	vst v63  }
0xbf: {  	_ =	swait.ge [sflag:s7], $0xC000  }
0xc0: {  	[sflag:s7] =	ssyncset.done $0x0  }
0xc1: {  	s6 =	sadd.s32 $0xFFFFFFFF, s6;
	[sflag:s7] =	ssyncadd.s32 $0xFFFF4000  }
0xc2: {  	_ =	sfence.sel $0x180000  }
0xc3: {  	[bflag:$0x0] =	sbarrier.arrive $0xFFFF  }
0xc4: {  	_ =	strace $0x9000004A  }
0xc5: {  	s0 =	stileid.u32;
	[bflag:$0x2] =	sbarrier.arrive $0xFFFF  }
0xc6: {  	p0 =	sne.s32 s0, $0x0;
	s0 =	rddreg [dreg:$0x2]  }
0xc7: {  	s0 =	sadd.s32 @!p0 $0x100000, s0  }
0xc8: {  	[sflag:s0] =	ssyncadd.tile.s32 @!p0 $0x1;
	_ =	shalt  }
.Lfunc_end2:
_tile_overlayer_lowered:
.L_overlay_start_2:
0xc9: {  	(tag) =	ssettag $0x2  }
0xca: {  	s0 =	rddreg [dreg:$0x0];
	s2 =	stileid.u32  }
0xcb: {  	s1 =	rddreg [dreg:$0x1];
	p0 =	sne.s32 s2, $0x0  }
0xcc: {  	s3 =	rddreg [dreg:$0x2];
	[bflag:$0x3] =	sbarrier.arrive $0xFFFF;
	s2 =	simm.s32 @!p0 $0x1C02  }
0xcd: {  	[timem:s3], [sflag:s2] =	dma.local @!p0 [hbm:s0], s1  }
0xce: {  	s0 =	simm.s32 @!p0 $0x2  }
0xcf: {  	_ =	swait.ge @!p0 [sflag:s0], s1  }
0xd0: {  	s1 =	ssub.s32 @!p0 $0x0, s1;
	[sflag:s0] =	ssyncset.done @!p0 $0x0  }
0xd1: {  	[sflag:s0] =	ssyncadd.s32 @!p0 s1  }
0xd2: {  	[bflag:$0x3] =	sbarrier.arrive $0xFFFF  }
0xd3: {  	_ =	shalt  }

// kernel: kernel.7.cloned.1.call-start
scs
__scs_entry_jumppad:
0x0: {  	(pc) =	sbr.rel $0x88, $3  }
0x1: {  	(tag) =	ssettag $0x0;
	lr =	simm.s32 $0x1  }
0x2: {  	[smem:$0x3F9C] =	sst lr;
	_ =	strace $0xD0000000  }
0x3: {  	_ = 	snop  }
0x4: {  	_ = 	snop  }
0x5: {  	_ = 	snop  }
0x6: {  	_ = 	snop  }
0x7: {  	_ = 	snop  }
__scs_overlays_trampoline_lowered:
0x8: {  	[smem:$0x3FAB] =	sst s0  }
0x9: {  	[smem:$0x3FAC] =	sst s1  }
0xa: {  	[smem:$0x3FAD] =	sst s2  }
0xb: {  	[smem:$0x3FAE] =	sst s3  }
0xc: {  	[smem:$0x3FAF] =	sst s4  }
0xd: {  	[smem:$0x3FB0] =	sst s5  }
0xe: {  	[smem:$0x3FB1] =	sst s6  }
0xf: {  	[smem:$0x3FB2] =	sst s7  }
0x10: {  	[smem:$0x3FB3] =	sst s8  }
0x11: {  	[smem:$0x3FB4] =	sst s9;
	s0 =	simm.s32 @!p0 $0x0  }
0x12: {  	s1 =	sld [smem:$0x3F9A];
	s0 =	simm.s32 @p0 $0x1  }
0x13: {  	[smem:$0x3FB5] =	sst s0;
	s0 =	simm.s32 @!p1 $0x0  }
0x14: {  	s2 =	sld [smem:$0x3F99];
	s0 =	simm.s32 @p1 $0x1  }
0x15: {  	[smem:$0x3FB6] =	sst s0;
	s0 =	simm.s32 @!p2 $0x0  }
0x16: {  	s3 =	sld [smem:$0x3FDB];
	s0 =	simm.s32 @p2 $0x1  }
0x17: {  	s4 =	simm.s32 $0x1BF5;
	[smem:$0x3FB8] =	sst s0  }
0x18: {  	s0 =	sld [smem:$0x3F9B];
	_ =	swait.ge [sflag:s4], $0x0  }
0x19: {  	s7 =	sld [smem:$0x3F9C]  }
0x1a: {  	s8 =	sadd.s32 $0xFFFFE003, lr  }
0x1b: {  	s9 =	sadd.s32 $0xFFFFFEF7, lr;
	s5 =	simm.s32 $0xFFFFFFFF;
	p2 =	slt.u32 s8, $0xFFFFF086  }
0x1c: {  	p1 =	slt.u32 s9, $0xF7A;
	s5 =	simm.s32 @!p2 $0x0  }
0x1d: {  	s5 =	simm.s32 @p1 $0x1;
	p0 =	seq.s32 s7, s2  }
0x1e: {  	s7 =	smul.u32 @!p0 $0xF7A, s2;
	p2 =	seq.s32 @!p0 s5, $0x0  }
0x1f: {  	s9 =	smul.u32 $0xF7A, s1;
	s8 =	simm.s32 @!p0 $0x1BF5;
	p2 =	por !p2, p0  }
0x20: {  	[sflag:s8] =	ssyncset.s32 @!p0 $0xFFFFF086;
	s6 =	sadd.s32 @!p0 s3, s7;
	s7 =	simm.s32 @!p0 $0x108  }
0x21: {  	s3 =	sadd.s32 s3, s9;
	s6 =	sadd.s32 @!p0 $0x88, s6;
	s7 =	simm.s32 @p2 $0x1082  }
0x22: {  	[simem:s7], [sflag:s8] =	dma.local @!p0 [hbm:s6], $0xF7A  }
0x23: {  	s9 =	sor.u32 $0xD0000000, s2;
	s6 =	simm.s32 $0x108;
	_ =	swait.ge @!p0 [sflag:s8], $0x0  }
0x24: {  	s3 =	sadd.s32 $0x88, s3;
	s6 =	simm.s32 @!p1 $0x1082;
	[sflag:s4] =	ssyncset.s32 $0xFFFFF086  }
0x25: {  	[simem:s6], [sflag:s4] =	dma.local [hbm:s3], $0xF7A  }
0x26: {  	[smem:$0x3F9C] =	sst s1;
	(tag) =	ssettag s2;
	_ =	strace s9  }
0x27: {  	s1 =	sld [smem:$0x3FAC]  }
0x28: {  	s2 =	sld [smem:$0x3FAD]  }
0x29: {  	s4 =	sld [smem:$0x3FAF]  }
0x2a: {  	p0 =	seq.s32 s5, $0x0;
	s5 =	sld [smem:$0x3FB0]  }
0x2b: {  	s6 =	sld [smem:$0x3FB1]  }
0x2c: {  	s7 =	sld [smem:$0x3FB2]  }
0x2d: {  	s3 =	simm.s32 $0x108;
	s8 =	sld [smem:$0x3FB3]  }
0x2e: {  	s3 =	simm.s32 @!p0 $0x1082;
	s9 =	sld [smem:$0x3FB4]  }
0x2f: {  	lr =	sadd.s32 s0, s3;
	s0 =	sld [smem:$0x3FAB]  }
0x30: {  	s3 =	sld [smem:$0x3FAE]  }
0x31: {  	[smem:$0x3FB7] =	sst s10  }
0x32: {  	s10 =	sld [smem:$0x3FB5];
	_ =	sdelay $0x3  }
0x33: {  	p0 =	seq.s32 s10, $0x1;
	s10 =	sld [smem:$0x3FB7];
	_ =	sdelay $0x3  }
0x34: {  	[smem:$0x3FB7] =	sst s10  }
0x35: {  	s10 =	sld [smem:$0x3FB6];
	_ =	sdelay $0x3  }
0x36: {  	p1 =	seq.s32 s10, $0x1;
	s10 =	sld [smem:$0x3FB7];
	_ =	sdelay $0x3  }
0x37: {  	[smem:$0x3FB7] =	sst s10  }
0x38: {  	s10 =	sld [smem:$0x3FB8]  }
0x39: {  	_ = 	snop;
	(pc) =	sbr.ind lr, $3  }
0x3a: {  	_ = 	snop  }
0x3b: {  	_ = 	snop  }
0x3c: {  	p2 =	seq.s32 s10, $0x1;
	s10 =	sld [smem:$0x3FB7]  }
0x3d: {  	_ =	shalt  }
0x3e: {  	_ =	shalt  }
0x3f: {  	_ =	shalt  }
0x40: {  	_ =	shalt  }
0x41: {  	_ =	shalt  }
0x42: {  	_ =	shalt  }
0x43: {  	_ =	shalt  }
0x44: {  	_ =	shalt  }
0x45: {  	_ =	shalt  }
0x46: {  	_ =	shalt  }
0x47: {  	_ =	shalt  }
0x48: {  	_ =	shalt  }
0x49: {  	_ =	shalt  }
0x4a: {  	_ =	shalt  }
0x4b: {  	_ =	shalt  }
0x4c: {  	_ =	shalt  }
0x4d: {  	_ =	shalt  }
0x4e: {  	_ =	shalt  }
0x4f: {  	_ =	shalt  }
0x50: {  	_ =	shalt  }
0x51: {  	_ =	shalt  }
0x52: {  	_ =	shalt  }
0x53: {  	_ =	shalt  }
0x54: {  	_ =	shalt  }
0x55: {  	_ =	shalt  }
0x56: {  	_ =	shalt  }
0x57: {  	_ =	shalt  }
0x58: {  	_ =	shalt  }
0x59: {  	_ =	shalt  }
0x5a: {  	_ =	shalt  }
0x5b: {  	_ =	shalt  }
0x5c: {  	_ =	shalt  }
0x5d: {  	_ =	shalt  }
0x5e: {  	_ =	shalt  }
0x5f: {  	_ =	shalt  }
0x60: {  	_ =	shalt  }
0x61: {  	_ =	shalt  }
0x62: {  	_ =	shalt  }
0x63: {  	_ =	shalt  }
0x64: {  	_ =	shalt  }
0x65: {  	_ =	shalt  }
0x66: {  	_ =	shalt  }
0x67: {  	_ =	shalt  }
0x68: {  	_ =	shalt  }
0x69: {  	_ =	shalt  }
0x6a: {  	_ =	shalt  }
0x6b: {  	_ =	shalt  }
0x6c: {  	_ =	shalt  }
0x6d: {  	_ =	shalt  }
0x6e: {  	_ =	shalt  }
0x6f: {  	_ =	shalt  }
0x70: {  	_ =	shalt  }
0x71: {  	_ =	shalt  }
0x72: {  	_ =	shalt  }
0x73: {  	_ =	shalt  }
0x74: {  	_ =	shalt  }
0x75: {  	_ =	shalt  }
0x76: {  	_ =	shalt  }
0x77: {  	_ =	shalt  }
0x78: {  	_ =	shalt  }
0x79: {  	_ =	shalt  }
0x7a: {  	_ =	shalt  }
0x7b: {  	_ =	shalt  }
0x7c: {  	_ =	shalt  }
0x7d: {  	_ =	shalt  }
0x7e: {  	_ =	shalt  }
0x7f: {  	_ =	shalt  }
0x80: {  	_ =	shalt  }
0x81: {  	_ =	shalt  }
0x82: {  	_ =	shalt  }
0x83: {  	_ =	shalt  }
0x84: {  	_ =	shalt  }
0x85: {  	_ =	shalt  }
0x86: {  	_ =	shalt  }
0x87: {  	_ =	shalt  }
.Lfunc_end0:
.L_simem_size_0:
called_computation_lowered:
.L_overlay_start_0:
0x88: {  	s2 =	sld [smem:$0x3FD9]  }
0x89: {  	s3 =	sld [smem:$0x3FFE];
	_ =	sdelay $0x1  }
0x8a: {  	s1 =	srdreg.scid  }
0x8b: {  	s0 =	sand.u32 $0x1, s1  }
0x8c: {  	s14 =	sshll.u32 s0, $0xA;
	s2 =	sadd.s32 s3, s2  }
0x8d: {  	s2 =	sadd.s32 s2, s14  }
0x8e: {  	[smem:$0x3FC3] =	sst s2  }
0x8f: {  	_ = 	snop  }
0x90: {  	s2 =	sld [smem:$0x3FD0];
	_ =	sdelay $0x2  }
0x91: {  	s4 =	simm.s32 $0xA;
	s5 =	simm.s32 $0x10;
	s15 =	sld [smem:$0x3FC9]  }
0x92: {  	[smem:s5], [sflag:s4] =	dma.local [hbm:s2], $0x1  }
0x93: {  	_ =	swait.eq [sflag:s4], $0x1  }
0x94: {  	[sflag:s4] =	ssyncset.done $0x0  }
0x95: {  	[sflag:s4] =	ssyncadd.s32 $0xFFFFFFFF  }
0x96: {  	s16 =	sld [smem:$0x10];
	(tm) =	ssettm $0x1  }
0x97: {  	s17 =	sld [smem:$0x3FFB];
	_ =	sdelay $0x3  }
0x98: {  	_ =	strace s17  }
0x99: {  	s4 =	sld [smem:$0x3FFC];
	_ =	sdelay $0x3  }
0x9a: {  	_ =	strace s4  }
0x9b: {  	s4 =	sld [smem:$0x3FFD];
	_ =	sdelay $0x3  }
0x9c: {  	_ =	strace s4  }
0x9d: {  	_ =	strace $0x8FFFFFFF  }
0x9e: {  	s18 =	sld [smem:$0x3FDB];
	_ =	sdelay $0x1  }
0x9f: {  	s19 =	simm.s32 $_scs_section_size  }
0xa0: {  	s6 =	simm.s32 $_size__tile_overlayer_lowered;
	s7 =	simm.s32 $_tile_overlayer_lowered  }
0xa1: {  	s22 =	simm.s32 $0x1BFF;
	s21 =	sshll.u32 s7, $0x1;
	s4 =	sadd.s32 s19, s18  }
0xa2: {  	s8 =	simm.s32 $0x0;
	s20 =	sshll.u32 s6, $0x1;
	s6 =	sadd.s32 s21, s4  }
0xa3: {  	[timem:s8], [sflag:s22] =	dma.local [hbm:s6], s20  }
0xa4: {  	_ =	swait.ge [sflag:s22], s20  }
0xa5: {  	s5 =	ssub.s32 $0x0, s20;
	[sflag:s22] =	ssyncset.done $0x0  }
0xa6: {  	[sflag:s22] =	ssyncadd.s32 s5;
	_ =	sdelay $0x1  }
0xa7: {  	s23 =	simm.s32 $0x1B8B  }
0xa8: {  	_ =	swait.ge [sflag:s23], $0x1  }
0xa9: {  	[sflag:s23] =	ssyncset.done $0x0  }
0xaa: {  	s25 =	simm.s32 $0x1B8E;
	s24 =	sld [smem:$0x3FFE];
	[sflag:s23] =	ssyncadd.s32 $0xFFFFFFFF  }
0xab: {  	s26 =	simm.s32 $execute0_lowered;
	[smem:$0x3FD2] =	sst s25  }
0xac: {  	s6 =	sshll.u32 s26, $0x1;
	_ =	strace $0x80000046;
	[dreg:$0x1] =	wrdreg $0xFFFFFFFF  }
0xad: {  	s28 =	simm.s32 $_size_execute0_lowered;
	s4 =	sadd.s32 s4, s6;
	[dreg:$0x0] =	wrdreg $0x0  }
0xae: {  	s6 =	sshll.u32 s28, $0x1;
	[dreg:$0x2] =	wrdreg s4  }
0xaf: {  	[dreg:$0x3] =	wrdreg s6  }
0xb0: {  	[dreg:$0x4] =	wrdreg $0xC0  }
0xb1: {  	_ =	task [dreg:s8], $0x5FFFF  }
0xb2: {  	[dreg:$0x1] =	wrdreg $0xFFFFFFFF  }
0xb3: {  	[dreg:$0x0] =	wrdreg $0x60  }
0xb4: {  	[dreg:$0x2] =	wrdreg s15  }
0xb5: {  	[dreg:$0x3] =	wrdreg s16  }
0xb6: {  	[dreg:$0x4] =	wrdreg s24  }
0xb7: {  	[dreg:$0x5] =	wrdreg $0x9  }
0xb8: {  	_ =	task.clear_ibuf [dreg:s8], $0x6FFFF;
	_ =	strace $0x90000046  }
0xb9: {  	s29 =	simm.s32 $0x9;
	_ =	strace $0x80000048  }
0xba: {  	_ =	swait.ge [sflag:s29], $0x1  }
0xbb: {  	[sflag:s29] =	ssyncadd.s32 $0xFFFFFFFF  }
0xbc: {  	_ =	strace $0x90000048  }
0xbd: {  	_ =	sfence  }
0xbe: {  	s30 =	sld [smem:$0x0];
	_ =	sdelay $0x2  }
0xbf: {  	s31 =	sshll.u32 s1, $0xD;
	s1 =	sshrl.u32 s1, $0x2  }
0xc0: {  	s3 =	sand.u32 $0x4000, s31;
	s1 =	sadd.s32 s1, s30  }
0xc1: {  	s0 =	sor.u32 s3, s0;
	s1 =	sshll.u32 s1, $0x11  }
0xc2: {  	s0 =	sor.u32 s1, s0  }
0xc3: {  	s0 =	sadd.s32 $0x8F2B, s0  }
0xc4: {  	[sflag:s0] =	ssyncadd.remote.s32 $0x1  }
0xc5: {  	_ =	sfence.sel $0xFFFF  }
0xc6: {  	[dreg:$0x0] =	wrdreg $0xFFFFFFFF;
	(pc) =	sbr.abs _section_cstart, $3  }
0xc7: {  	[dreg:$0x1] =	wrdreg $0xFFFFFFFF  }
0xc8: {  	_ =	task.clear_ibuf [dreg:s8], $0x2FFFF;
	_ =	strace $0x9FFFFFFF  }
0xc9: {  	(tm) =	ssettm $0x7FFFFFFF  }
tec
execute0_lowered:
.L_overlay_start_1:
0x0: {  	(tag) =	ssettag $0x1  }
0x1: {  	s1 =	rddreg [dreg:$0x0]  }
0x2: {  	s0 =	rddreg [dreg:$0x1]  }
0x3: {  	s2 =	rddreg [dreg:$0x2]  }
0x4: {  	s4 =	srdreg.scid;
	s3 =	simm.s32 $0x0;
	s5 =	stileid.u32  }
0x5: {  	s26 =	simm.s32 $0x80;
	s10 =	simm.s32 $0x2;
	s18 =	simm.s32 $0x1100  }
0x6: {  	s19 =	simm.s32 $0x1900;
	s20 =	simm.s32 $0x2100;
	s21 =	simm.s32 $0x2900  }
0x7: {  	s22 =	simm.s32 $0x3100;
	s23 =	simm.s32 $0x3900;
	s28 =	simm.s32 $0x5900  }
0x8: {  	s29 =	simm.s32 $0x6100;
	s30 =	simm.s32 $0x6900;
	s31 =	simm.s32 $0x7100  }
0x9: {  	s11 =	simm.s32 $0x8900;
	s12 =	simm.s32 $0x9100;
	s13 =	simm.s32 $0x9900  }
0xa: {  	s14 =	simm.s32 $0xA100;
	s15 =	simm.s32 $0xA900;
	s4 =	sand.u32 $0x1, s4  }
0xb: {  	[smem:$0x7FF] =	sst s3;
	s5 =	sshll.u32 s5, $0x5;
	s8 =	sadd.s32 $0x1400, s2  }
0xc: {  	s6 =	sshll.u32 s4, $0x4;
	_ =	strace $0x80000047;
	s7 =	ssub.s32 $0x2, s4  }
0xd: {  	s4 =	sadd.s32 $0x1200, s2;
	[dreg:$0x6] =	wrdreg s26;
	s5 =	sor.u32 s6, s5  }
0xe: {  	s26 =	simm.s32 $0x5100;
	s24 =	sshrl.u32 s7, $0x1;
	s6 =	sadd.s32 s5, s2  }
0xf: {  	s0 =	sadd.s32 s0, s5;
	s9 =	ssub.s32 s7, s24;
	s5 =	sadd.s32 $0x100, s1  }
0x10: {  	v2 =	vlaneseq.u32;
	s7 =	sadd.s32 $0x1300, s2;
	s24 =	simm.s32 $0x4100;
	s2 =	simm.s32 $0x8100  }
0x11: {  	vm0 =	vmmov $0xffff;
	v1 =	vshrl.u32 v2, $0x3;
	[dreg:$0x4] =	wrdreg s0;
	s25 =	sadd.s32 $0x1000, s6;
	s6 =	sadd.s32 $0x200, s1  }
0x12: {  	v0 =	vand.u32 $0x7, v2;
	v2 =	vor.u32 $0x8, v2;
	v1 =	vmul.u32 $0x8, v1;
	s9 =	smax.u32 s9, $0x1;
	[dreg:$0x5] =	wrdreg s25;
	s25 =	simm.s32 $0x4900  }
.LBB2_1:
0x13: {  	s16 =	rddreg [dreg:$0x4]  }
0x14: {  	[tilespmem:s3], [sflag:$0x2] =	stream.linear.gather [hbm4b:s16+s3], $0x80, $0x38;
	[tilespmem:$0x18100] =	vst v63  }
0x15: {  	_ =	swait.ge [sflag:s10], $0x80  }
0x16: {  	s0 =	rddreg [dreg:$0x5];
	[sflag:s10] =	ssyncset.done $0x0  }
0x17: {  	s17 =	rddreg [dreg:$0x6];
	[sflag:s10] =	ssyncadd.s32 $0xFFFFFF80  }
0x18: {  	[tilespmem:s17], [sflag:$0x2] =	stream.linear.gather [hbm4b:s0+s3], $0x80, $0x38;
	[tilespmem:$0x18100] =	vst v63  }
0x19: {  	_ =	swait.ge [sflag:s10], $0x80  }
0x1a: {  	[sflag:s10] =	ssyncset.done $0x0  }
0x1b: {  	[sflag:s10] =	ssyncadd.s32 $0xFFFFFF80  }
0x1c: {  	v3 =	vld [tilespmem:$0x0];
	_ =	sdelay $0x4  }
0x1d: {  	v4 =	vshrl.u32 v3, $0x3  }
0x1e: {  	v4 =	vmul.u32 $0x30, v4  }
0x1f: {  	v3 =	vand.u32 $0x7, v3  }
0x20: {  	v3 =	vor.u32 v3, v4  }
0x21: {  	v4 =	vperm.xlane v3, v0;
	_ =	sdelay $0x1  }
0x22: {  	v4 =	vadd.s32 v1, v4;
	_ =	sdelay $0x3  }
0x23: {  	s16 =	simm.s32 $0x100;
	v3 =	vperm.xlane v3, v2  }
0x24: {  	[tilespmem:s16], [sflag:$0x1] =	stream.indirect_vreg.gather [hbm4b:s1+s3], $0x80, v4, vm0, $0xb8;
	[tilespmem:$0x18100] =	vst v63  }
0x25: {  	s17 =	simm.s32 $0x900;
	v3 =	vadd.s32 v1, v3  }
0x26: {  	[tilespmem:s17], [sflag:$0x1] =	stream.indirect_vreg.gather [hbm4b:s5+s3], $0x80, v4, vm0, $0xb8;
	[tilespmem:$0x18100] =	vst v63  }
0x27: {  	_ = 	snop  }
0x28: {  	[tilespmem:s18], [sflag:$0x1] =	stream.indirect_vreg.gather [hbm4b:s6+s3], $0x80, v4, vm0, $0xb8;
	[tilespmem:$0x18100] =	vst v63  }
0x29: {  	_ = 	snop  }
0x2a: {  	[tilespmem:s19], [sflag:$0x1] =	stream.indirect_vreg.gather [hbm4b:s1+s3], $0x80, v3, vm0, $0xb8;
	[tilespmem:$0x18100] =	vst v63  }
0x2b: {  	_ = 	snop  }
0x2c: {  	[tilespmem:s20], [sflag:$0x1] =	stream.indirect_vreg.gather [hbm4b:s5+s3], $0x80, v3, vm0, $0xb8;
	[tilespmem:$0x18100] =	vst v63  }
0x2d: {  	_ = 	snop  }
0x2e: {  	[tilespmem:s21], [sflag:$0x1] =	stream.indirect_vreg.gather [hbm4b:s6+s3], $0x80, v3, vm0, $0xb8;
	[tilespmem:$0x18100] =	vst v63  }
0x2f: {  	v3 =	vld [tilespmem:$0x10];
	_ =	sdelay $0x4  }
0x30: {  	v49 =	vshrl.u32 v3, $0x3  }
0x31: {  	v4 =	vmul.u32 $0x30, v49  }
0x32: {  	v3 =	vand.u32 $0x7, v3  }
0x33: {  	v3 =	vor.u32 v3, v4  }
0x34: {  	v4 =	vperm.xlane v3, v0;
	_ =	sdelay $0x1  }
0x35: {  	v4 =	vadd.s32 v1, v4;
	_ =	sdelay $0x3  }
0x36: {  	v3 =	vperm.xlane v3, v2  }
0x37: {  	[tilespmem:s22], [sflag:$0x1] =	stream.indirect_vreg.gather [hbm4b:s1+s3], $0x80, v4, vm0, $0xb8;
	[tilespmem:$0x18100] =	vst v63  }
0x38: {  	v3 =	vadd.s32 v1, v3  }
0x39: {  	[tilespmem:s23], [sflag:$0x1] =	stream.indirect_vreg.gather [hbm4b:s5+s3], $0x80, v4, vm0, $0xb8;
	[tilespmem:$0x18100] =	vst v63  }
0x3a: {  	_ = 	snop  }
0x3b: {  	[tilespmem:s24], [sflag:$0x1] =	stream.indirect_vreg.gather [hbm4b:s6+s3], $0x80, v4, vm0, $0xb8;
	[tilespmem:$0x18100] =	vst v63  }
0x3c: {  	_ = 	snop  }
0x3d: {  	[tilespmem:s25], [sflag:$0x1] =	stream.indirect_vreg.gather [hbm4b:s1+s3], $0x80, v3, vm0, $0xb8;
	[tilespmem:$0x18100] =	vst v63  }
0x3e: {  	_ = 	snop  }
0x3f: {  	[tilespmem:s26], [sflag:$0x1] =	stream.indirect_vreg.gather [hbm4b:s5+s3], $0x80, v3, vm0, $0xb8;
	[tilespmem:$0x18100] =	vst v63  }
0x40: {  	_ = 	snop  }
0x41: {  	[tilespmem:s28], [sflag:$0x1] =	stream.indirect_vreg.gather [hbm4b:s6+s3], $0x80, v3, vm0, $0xb8;
	[tilespmem:$0x18100] =	vst v63  }
0x42: {  	v3 =	vld [tilespmem:$0x20];
	_ =	sdelay $0x4  }
0x43: {  	v50 =	vshrl.u32 v3, $0x3  }
0x44: {  	v4 =	vmul.u32 $0x30, v50  }
0x45: {  	v3 =	vand.u32 $0x7, v3  }
0x46: {  	v3 =	vor.u32 v3, v4  }
0x47: {  	v4 =	vperm.xlane v3, v0;
	_ =	sdelay $0x1  }
0x48: {  	v4 =	vadd.s32 v1, v4;
	_ =	sdelay $0x3  }
0x49: {  	v3 =	vperm.xlane v3, v2  }
0x4a: {  	[tilespmem:s29], [sflag:$0x1] =	stream.indirect_vreg.gather [hbm4b:s1+s3], $0x80, v4, vm0, $0xb8;
	[tilespmem:$0x18100] =	vst v63  }
0x4b: {  	v3 =	vadd.s32 v1, v3  }
0x4c: {  	[tilespmem:s30], [sflag:$0x1] =	stream.indirect_vreg.gather [hbm4b:s5+s3], $0x80, v4, vm0, $0xb8;
	[tilespmem:$0x18100] =	vst v63  }
0x4d: {  	_ = 	snop  }
0x4e: {  	[tilespmem:s31], [sflag:$0x1] =	stream.indirect_vreg.gather [hbm4b:s6+s3], $0x80, v4, vm0, $0xb8;
	[tilespmem:$0x18100] =	vst v63  }
0x4f: {  	s0 =	simm.s32 $0x7900  }
0x50: {  	[tilespmem:s0], [sflag:$0x1] =	stream.indirect_vreg.gather [hbm4b:s1+s3], $0x80, v3, vm0, $0xb8;
	[tilespmem:$0x18100] =	vst v63  }
0x51: {  	_ = 	snop  }
0x52: {  	[tilespmem:s2], [sflag:$0x1] =	stream.indirect_vreg.gather [hbm4b:s5+s3], $0x80, v3, vm0, $0xb8;
	[tilespmem:$0x18100] =	vst v63  }
0x53: {  	_ = 	snop  }
0x54: {  	[tilespmem:s11], [sflag:$0x1] =	stream.indirect_vreg.gather [hbm4b:s6+s3], $0x80, v3, vm0, $0xb8;
	[tilespmem:$0x18100] =	vst v63  }
0x55: {  	v3 =	vld [tilespmem:$0x30];
	_ =	sdelay $0x4  }
0x56: {  	v51 =	vshrl.u32 v3, $0x3  }
0x57: {  	v4 =	vmul.u32 $0x30, v51  }
0x58: {  	v3 =	vand.u32 $0x7, v3  }
0x59: {  	v3 =	vor.u32 v3, v4  }
0x5a: {  	v4 =	vperm.xlane v3, v0;
	_ =	sdelay $0x1  }
0x5b: {  	v4 =	vadd.s32 v1, v4;
	_ =	sdelay $0x3  }
0x5c: {  	v3 =	vperm.xlane v3, v2  }
0x5d: {  	[tilespmem:s12], [sflag:$0x1] =	stream.indirect_vreg.gather [hbm4b:s1+s3], $0x80, v4, vm0, $0xb8;
	[tilespmem:$0x18100] =	vst v63  }
0x5e: {  	v3 =	vadd.s32 v1, v3  }
0x5f: {  	[tilespmem:s13], [sflag:$0x1] =	stream.indirect_vreg.gather [hbm4b:s5+s3], $0x80, v4, vm0, $0xb8;
	[tilespmem:$0x18100] =	vst v63  }
0x60: {  	_ = 	snop  }
0x61: {  	[tilespmem:s14], [sflag:$0x1] =	stream.indirect_vreg.gather [hbm4b:s6+s3], $0x80, v4, vm0, $0xb8;
	[tilespmem:$0x18100] =	vst v63  }
0x62: {  	_ = 	snop  }
0x63: {  	[tilespmem:s15], [sflag:$0x1] =	stream.indirect_vreg.gather [hbm4b:s1+s3], $0x80, v3, vm0, $0xb8;
	[tilespmem:$0x18100] =	vst v63  }
0x64: {  	s0 =	simm.s32 $0xB100  }
0x65: {  	[tilespmem:s0], [sflag:$0x1] =	stream.indirect_vreg.gather [hbm4b:s5+s3], $0x80, v3, vm0, $0xb8;
	[tilespmem:$0x18100] =	vst v63  }
0x66: {  	s0 =	simm.s32 $0xB900  }
0x67: {  	[tilespmem:s0], [sflag:$0x1] =	stream.indirect_vreg.gather [hbm4b:s6+s3], $0x80, v3, vm0, $0xb8;
	[tilespmem:$0x18100] =	vst v63  }
0x68: {  	v3 =	vld [tilespmem:$0x40];
	_ =	sdelay $0x4  }
0x69: {  	v52 =	vshrl.u32 v3, $0x3  }
0x6a: {  	v4 =	vmul.u32 $0x30, v52  }
0x6b: {  	v3 =	vand.u32 $0x7, v3  }
0x6c: {  	v3 =	vor.u32 v3, v4  }
0x6d: {  	v4 =	vperm.xlane v3, v0;
	_ =	sdelay $0x1  }
0x6e: {  	v4 =	vadd.s32 v1, v4;
	_ =	sdelay $0x3  }
0x6f: {  	s0 =	simm.s32 $0xC100;
	v3 =	vperm.xlane v3, v2  }
0x70: {  	[tilespmem:s0], [sflag:$0x1] =	stream.indirect_vreg.gather [hbm4b:s1+s3], $0x80, v4, vm0, $0xb8;
	[tilespmem:$0x18100] =	vst v63  }
0x71: {  	v3 =	vadd.s32 v1, v3;
	s0 =	simm.s32 $0xC900  }
0x72: {  	[tilespmem:s0], [sflag:$0x1] =	stream.indirect_vreg.gather [hbm4b:s5+s3], $0x80, v4, vm0, $0xb8;
	[tilespmem:$0x18100] =	vst v63  }
0x73: {  	s0 =	simm.s32 $0xD100  }
0x74: {  	[tilespmem:s0], [sflag:$0x1] =	stream.indirect_vreg.gather [hbm4b:s6+s3], $0x80, v4, vm0, $0xb8;
	[tilespmem:$0x18100] =	vst v63  }
0x75: {  	s0 =	simm.s32 $0xD900  }
0x76: {  	[tilespmem:s0], [sflag:$0x1] =	stream.indirect_vreg.gather [hbm4b:s1+s3], $0x80, v3, vm0, $0xb8;
	[tilespmem:$0x18100] =	vst v63  }
0x77: {  	s0 =	simm.s32 $0xE100  }
0x78: {  	[tilespmem:s0], [sflag:$0x1] =	stream.indirect_vreg.gather [hbm4b:s5+s3], $0x80, v3, vm0, $0xb8;
	[tilespmem:$0x18100] =	vst v63  }
0x79: {  	s0 =	simm.s32 $0xE900  }
0x7a: {  	[tilespmem:s0], [sflag:$0x1] =	stream.indirect_vreg.gather [hbm4b:s6+s3], $0x80, v3, vm0, $0xb8;
	[tilespmem:$0x18100] =	vst v63  }
0x7b: {  	v3 =	vld [tilespmem:$0x50];
	_ =	sdelay $0x4  }
0x7c: {  	v53 =	vshrl.u32 v3, $0x3  }
0x7d: {  	v4 =	vmul.u32 $0x30, v53  }
0x7e: {  	v3 =	vand.u32 $0x7, v3  }
0x7f: {  	v3 =	vor.u32 v3, v4  }
0x80: {  	v4 =	vperm.xlane v3, v0;
	_ =	sdelay $0x1  }
0x81: {  	v4 =	vadd.s32 v1, v4;
	_ =	sdelay $0x3  }
0x82: {  	s0 =	simm.s32 $0xF100;
	v3 =	vperm.xlane v3, v2  }
0x83: {  	[tilespmem:s0], [sflag:$0x1] =	stream.indirect_vreg.gather [hbm4b:s1+s3], $0x80, v4, vm0, $0xb8;
	[tilespmem:$0x18100] =	vst v63  }
0x84: {  	v3 =	vadd.s32 v1, v3;
	s0 =	simm.s32 $0xF900  }
0x85: {  	[tilespmem:s0], [sflag:$0x1] =	stream.indirect_vreg.gather [hbm4b:s5+s3], $0x80, v4, vm0, $0xb8;
	[tilespmem:$0x18100] =	vst v63  }
0x86: {  	s0 =	simm.s32 $0x10100  }
0x87: {  	[tilespmem:s0], [sflag:$0x1] =	stream.indirect_vreg.gather [hbm4b:s6+s3], $0x80, v4, vm0, $0xb8;
	[tilespmem:$0x18100] =	vst v63  }
0x88: {  	s0 =	simm.s32 $0x10900  }
0x89: {  	[tilespmem:s0], [sflag:$0x1] =	stream.indirect_vreg.gather [hbm4b:s1+s3], $0x80, v3, vm0, $0xb8;
	[tilespmem:$0x18100] =	vst v63  }
0x8a: {  	s0 =	simm.s32 $0x11100  }
0x8b: {  	[tilespmem:s0], [sflag:$0x1] =	stream.indirect_vreg.gather [hbm4b:s5+s3], $0x80, v3, vm0, $0xb8;
	[tilespmem:$0x18100] =	vst v63  }
0x8c: {  	s0 =	simm.s32 $0x11900  }
0x8d: {  	[tilespmem:s0], [sflag:$0x1] =	stream.indirect_vreg.gather [hbm4b:s6+s3], $0x80, v3, vm0, $0xb8;
	[tilespmem:$0x18100] =	vst v63  }
0x8e: {  	v3 =	vld [tilespmem:$0x60];
	_ =	sdelay $0x4  }
0x8f: {  	v54 =	vshrl.u32 v3, $0x3  }
0x90: {  	v4 =	vmul.u32 $0x30, v54  }
0x91: {  	v3 =	vand.u32 $0x7, v3  }
0x92: {  	v3 =	vor.u32 v3, v4  }
0x93: {  	v4 =	vperm.xlane v3, v0;
	_ =	sdelay $0x1  }
0x94: {  	v4 =	vadd.s32 v1, v4;
	_ =	sdelay $0x3  }
0x95: {  	s0 =	simm.s32 $0x12100;
	v3 =	vperm.xlane v3, v2  }
0x96: {  	[tilespmem:s0], [sflag:$0x1] =	stream.indirect_vreg.gather [hbm4b:s1+s3], $0x80, v4, vm0, $0xb8;
	[tilespmem:$0x18100] =	vst v63  }
0x97: {  	v3 =	vadd.s32 v1, v3;
	s0 =	simm.s32 $0x12900  }
0x98: {  	[tilespmem:s0], [sflag:$0x1] =	stream.indirect_vreg.gather [hbm4b:s5+s3], $0x80, v4, vm0, $0xb8;
	[tilespmem:$0x18100] =	vst v63  }
0x99: {  	s0 =	simm.s32 $0x13100  }
0x9a: {  	[tilespmem:s0], [sflag:$0x1] =	stream.indirect_vreg.gather [hbm4b:s6+s3], $0x80, v4, vm0, $0xb8;
	[tilespmem:$0x18100] =	vst v63  }
0x9b: {  	s0 =	simm.s32 $0x13900  }
0x9c: {  	[tilespmem:s0], [sflag:$0x1] =	stream.indirect_vreg.gather [hbm4b:s1+s3], $0x80, v3, vm0, $0xb8;
	[tilespmem:$0x18100] =	vst v63  }
0x9d: {  	s0 =	simm.s32 $0x14100  }
0x9e: {  	[tilespmem:s0], [sflag:$0x1] =	stream.indirect_vreg.gather [hbm4b:s5+s3], $0x80, v3, vm0, $0xb8;
	[tilespmem:$0x18100] =	vst v63  }
0x9f: {  	s0 =	simm.s32 $0x14900  }
0xa0: {  	[tilespmem:s0], [sflag:$0x1] =	stream.indirect_vreg.gather [hbm4b:s6+s3], $0x80, v3, vm0, $0xb8;
	[tilespmem:$0x18100] =	vst v63  }
0xa1: {  	v3 =	vld [tilespmem:$0x70];
	_ =	sdelay $0x4  }
0xa2: {  	v55 =	vshrl.u32 v3, $0x3  }
0xa3: {  	v4 =	vmul.u32 $0x30, v55  }
0xa4: {  	v3 =	vand.u32 $0x7, v3  }
0xa5: {  	v3 =	vor.u32 v3, v4  }
0xa6: {  	v4 =	vperm.xlane v3, v0;
	_ =	sdelay $0x1  }
0xa7: {  	v4 =	vadd.s32 v1, v4;
	_ =	sdelay $0x3  }
0xa8: {  	s0 =	simm.s32 $0x15100;
	v3 =	vperm.xlane v3, v2  }
0xa9: {  	[tilespmem:s0], [sflag:$0x1] =	stream.indirect_vreg.gather [hbm4b:s1+s3], $0x80, v4, vm0, $0xb8;
	[tilespmem:$0x18100] =	vst v63  }
0xaa: {  	v3 =	vadd.s32 v1, v3;
	s0 =	simm.s32 $0x15900  }
0xab: {  	[tilespmem:s0], [sflag:$0x1] =	stream.indirect_vreg.gather [hbm4b:s5+s3], $0x80, v4, vm0, $0xb8;
	[tilespmem:$0x18100] =	vst v63  }
0xac: {  	s0 =	simm.s32 $0x16100  }
0xad: {  	[tilespmem:s0], [sflag:$0x1] =	stream.indirect_vreg.gather [hbm4b:s6+s3], $0x80, v4, vm0, $0xb8;
	[tilespmem:$0x18100] =	vst v63  }
0xae: {  	s0 =	simm.s32 $0x16900  }
0xaf: {  	[tilespmem:s0], [sflag:$0x1] =	stream.indirect_vreg.gather [hbm4b:s1+s3], $0x80, v3, vm0, $0xb8;
	[tilespmem:$0x18100] =	vst v63  }
0xb0: {  	s0 =	simm.s32 $0x17100  }
0xb1: {  	[tilespmem:s0], [sflag:$0x1] =	stream.indirect_vreg.gather [hbm4b:s5+s3], $0x80, v3, vm0, $0xb8;
	[tilespmem:$0x18100] =	vst v63  }
0xb2: {  	s0 =	simm.s32 $0x17900  }
0xb3: {  	[tilespmem:s0], [sflag:$0x1] =	stream.indirect_vreg.gather [hbm4b:s6+s3], $0x80, v3, vm0, $0xb8;
	[tilespmem:$0x18100] =	vst v63  }
0xb4: {  	s0 =	simm.s32 $0x1  }
0xb5: {  	_ =	swait.ge [sflag:s0], $0x18000  }
0xb6: {  	[sflag:s0] =	ssyncset.done $0x0  }
0xb7: {  	[sflag:s0] =	ssyncadd.s32 $0xFFFE8000  }
0xb8: {  	v3 =	vld [tilespmem:$0x80];
	_ =	sdelay $0x4  }
0xb9: {  	v56 =	vshrl.u32 v3, $0x3  }
0xba: {  	v4 =	vmul.u32 $0x30, v56  }
0xbb: {  	v3 =	vand.u32 $0x7, v3  }
0xbc: {  	v3 =	vor.u32 v3, v4  }
0xbd: {  	v4 =	vperm.xlane v3, v0;
	_ =	sdelay $0x1  }
0xbe: {  	v4 =	vadd.s32 v1, v4;
	_ =	sdelay $0x3  }
0xbf: {  	v3 =	vperm.xlane v3, v2  }
0xc0: {  	[hbm4b:s4+s3] =	stream.indirect_vreg.scatter [tilespmem:s16], [sflag:$0x2], $0x80, v4, vm0, $0xb8;
	[tilespmem:$0x18100] =	vst v63  }
0xc1: {  	v3 =	vadd.s32 v1, v3  }
0xc2: {  	[hbm4b:s7+s3] =	stream.indirect_vreg.scatter [tilespmem:s17], [sflag:$0x2], $0x80, v4, vm0, $0xb8;
	[tilespmem:$0x18100] =	vst v63  }
0xc3: {  	_ = 	snop  }
0xc4: {  	[hbm4b:s8+s3] =	stream.indirect_vreg.scatter [tilespmem:s18], [sflag:$0x2], $0x80, v4, vm0, $0xb8;
	[tilespmem:$0x18100] =	vst v63  }
0xc5: {  	_ = 	snop  }
0xc6: {  	[hbm4b:s4+s3] =	stream.indirect_vreg.scatter [tilespmem:s19], [sflag:$0x2], $0x80, v3, vm0, $0xb8;
	[tilespmem:$0x18100] =	vst v63  }
0xc7: {  	_ = 	snop  }
0xc8: {  	[hbm4b:s7+s3] =	stream.indirect_vreg.scatter [tilespmem:s20], [sflag:$0x2], $0x80, v3, vm0, $0xb8;
	[tilespmem:$0x18100] =	vst v63  }
0xc9: {  	_ = 	snop  }
0xca: {  	[hbm4b:s8+s3] =	stream.indirect_vreg.scatter [tilespmem:s21], [sflag:$0x2], $0x80, v3, vm0, $0xb8;
	[tilespmem:$0x18100] =	vst v63  }
0xcb: {  	v3 =	vld [tilespmem:$0x90];
	_ =	sdelay $0x4  }
0xcc: {  	v57 =	vshrl.u32 v3, $0x3  }
0xcd: {  	v4 =	vmul.u32 $0x30, v57  }
0xce: {  	v3 =	vand.u32 $0x7, v3  }
0xcf: {  	v3 =	vor.u32 v3, v4  }
0xd0: {  	v4 =	vperm.xlane v3, v0;
	_ =	sdelay $0x1  }
0xd1: {  	v4 =	vadd.s32 v1, v4;
	_ =	sdelay $0x3  }
0xd2: {  	v3 =	vperm.xlane v3, v2  }
0xd3: {  	[hbm4b:s4+s3] =	stream.indirect_vreg.scatter [tilespmem:s22], [sflag:$0x2], $0x80, v4, vm0, $0xb8;
	[tilespmem:$0x18100] =	vst v63  }
0xd4: {  	v3 =	vadd.s32 v1, v3  }
0xd5: {  	[hbm4b:s7+s3] =	stream.indirect_vreg.scatter [tilespmem:s23], [sflag:$0x2], $0x80, v4, vm0, $0xb8;
	[tilespmem:$0x18100] =	vst v63  }
0xd6: {  	_ = 	snop  }
0xd7: {  	[hbm4b:s8+s3] =	stream.indirect_vreg.scatter [tilespmem:s24], [sflag:$0x2], $0x80, v4, vm0, $0xb8;
	[tilespmem:$0x18100] =	vst v63  }
0xd8: {  	_ = 	snop  }
0xd9: {  	[hbm4b:s4+s3] =	stream.indirect_vreg.scatter [tilespmem:s25], [sflag:$0x2], $0x80, v3, vm0, $0xb8;
	[tilespmem:$0x18100] =	vst v63  }
0xda: {  	_ = 	snop  }
0xdb: {  	[hbm4b:s7+s3] =	stream.indirect_vreg.scatter [tilespmem:s26], [sflag:$0x2], $0x80, v3, vm0, $0xb8;
	[tilespmem:$0x18100] =	vst v63  }
0xdc: {  	_ = 	snop  }
0xdd: {  	[hbm4b:s8+s3] =	stream.indirect_vreg.scatter [tilespmem:s28], [sflag:$0x2], $0x80, v3, vm0, $0xb8;
	[tilespmem:$0x18100] =	vst v63  }
0xde: {  	v3 =	vld [tilespmem:$0xA0];
	_ =	sdelay $0x4  }
0xdf: {  	v58 =	vshrl.u32 v3, $0x3  }
0xe0: {  	v4 =	vmul.u32 $0x30, v58  }
0xe1: {  	v3 =	vand.u32 $0x7, v3  }
0xe2: {  	v3 =	vor.u32 v3, v4  }
0xe3: {  	v4 =	vperm.xlane v3, v0;
	_ =	sdelay $0x1  }
0xe4: {  	v4 =	vadd.s32 v1, v4;
	_ =	sdelay $0x3  }
0xe5: {  	v3 =	vperm.xlane v3, v2  }
0xe6: {  	[hbm4b:s4+s3] =	stream.indirect_vreg.scatter [tilespmem:s29], [sflag:$0x2], $0x80, v4, vm0, $0xb8;
	[tilespmem:$0x18100] =	vst v63  }
0xe7: {  	v3 =	vadd.s32 v1, v3  }
0xe8: {  	[hbm4b:s7+s3] =	stream.indirect_vreg.scatter [tilespmem:s30], [sflag:$0x2], $0x80, v4, vm0, $0xb8;
	[tilespmem:$0x18100] =	vst v63  }
0xe9: {  	_ = 	snop  }
0xea: {  	[hbm4b:s8+s3] =	stream.indirect_vreg.scatter [tilespmem:s31], [sflag:$0x2], $0x80, v4, vm0, $0xb8;
	[tilespmem:$0x18100] =	vst v63  }
0xeb: {  	s17 =	simm.s32 $0x7900  }
0xec: {  	[hbm4b:s4+s3] =	stream.indirect_vreg.scatter [tilespmem:s17], [sflag:$0x2], $0x80, v3, vm0, $0xb8;
	[tilespmem:$0x18100] =	vst v63  }
0xed: {  	_ = 	snop  }
0xee: {  	[hbm4b:s7+s3] =	stream.indirect_vreg.scatter [tilespmem:s2], [sflag:$0x2], $0x80, v3, vm0, $0xb8;
	[tilespmem:$0x18100] =	vst v63  }
0xef: {  	_ = 	snop  }
0xf0: {  	[hbm4b:s8+s3] =	stream.indirect_vreg.scatter [tilespmem:s11], [sflag:$0x2], $0x80, v3, vm0, $0xb8;
	[tilespmem:$0x18100] =	vst v63  }
0xf1: {  	v3 =	vld [tilespmem:$0xB0];
	_ =	sdelay $0x4  }
0xf2: {  	v59 =	vshrl.u32 v3, $0x3  }
0xf3: {  	v4 =	vmul.u32 $0x30, v59  }
0xf4: {  	v3 =	vand.u32 $0x7, v3  }
0xf5: {  	v3 =	vor.u32 v3, v4  }
0xf6: {  	v4 =	vperm.xlane v3, v0;
	_ =	sdelay $0x1  }
0xf7: {  	v4 =	vadd.s32 v1, v4;
	_ =	sdelay $0x3  }
0xf8: {  	v3 =	vperm.xlane v3, v2  }
0xf9: {  	[hbm4b:s4+s3] =	stream.indirect_vreg.scatter [tilespmem:s12], [sflag:$0x2], $0x80, v4, vm0, $0xb8;
	[tilespmem:$0x18100] =	vst v63  }
0xfa: {  	v3 =	vadd.s32 v1, v3  }
0xfb: {  	[hbm4b:s7+s3] =	stream.indirect_vreg.scatter [tilespmem:s13], [sflag:$0x2], $0x80, v4, vm0, $0xb8;
	[tilespmem:$0x18100] =	vst v63  }
0xfc: {  	_ = 	snop  }
0xfd: {  	[hbm4b:s8+s3] =	stream.indirect_vreg.scatter [tilespmem:s14], [sflag:$0x2], $0x80, v4, vm0, $0xb8;
	[tilespmem:$0x18100] =	vst v63  }
0xfe: {  	_ = 	snop  }
0xff: {  	[hbm4b:s4+s3] =	stream.indirect_vreg.scatter [tilespmem:s15], [sflag:$0x2], $0x80, v3, vm0, $0xb8;
	[tilespmem:$0x18100] =	vst v63  }
0x100: {  	s16 =	simm.s32 $0xB100  }
0x101: {  	[hbm4b:s7+s3] =	stream.indirect_vreg.scatter [tilespmem:s16], [sflag:$0x2], $0x80, v3, vm0, $0xb8;
	[tilespmem:$0x18100] =	vst v63  }
0x102: {  	s17 =	simm.s32 $0xB900  }
0x103: {  	[hbm4b:s8+s3] =	stream.indirect_vreg.scatter [tilespmem:s17], [sflag:$0x2], $0x80, v3, vm0, $0xb8;
	[tilespmem:$0x18100] =	vst v63  }
0x104: {  	v3 =	vld [tilespmem:$0xC0];
	_ =	sdelay $0x4  }
0x105: {  	v60 =	vshrl.u32 v3, $0x3  }
0x106: {  	v4 =	vmul.u32 $0x30, v60  }
0x107: {  	v3 =	vand.u32 $0x7, v3  }
0x108: {  	v3 =	vor.u32 v3, v4  }
0x109: {  	v4 =	vperm.xlane v3, v0;
	_ =	sdelay $0x1  }
0x10a: {  	v4 =	vadd.s32 v1, v4;
	_ =	sdelay $0x3  }
0x10b: {  	s16 =	simm.s32 $0xC100;
	v3 =	vperm.xlane v3, v2  }
0x10c: {  	[hbm4b:s4+s3] =	stream.indirect_vreg.scatter [tilespmem:s16], [sflag:$0x2], $0x80, v4, vm0, $0xb8;
	[tilespmem:$0x18100] =	vst v63  }
0x10d: {  	s17 =	simm.s32 $0xC900;
	v3 =	vadd.s32 v1, v3  }
0x10e: {  	[hbm4b:s7+s3] =	stream.indirect_vreg.scatter [tilespmem:s17], [sflag:$0x2], $0x80, v4, vm0, $0xb8;
	[tilespmem:$0x18100] =	vst v63  }
0x10f: {  	s16 =	simm.s32 $0xD100  }
0x110: {  	[hbm4b:s8+s3] =	stream.indirect_vreg.scatter [tilespmem:s16], [sflag:$0x2], $0x80, v4, vm0, $0xb8;
	[tilespmem:$0x18100] =	vst v63  }
0x111: {  	s17 =	simm.s32 $0xD900  }
0x112: {  	[hbm4b:s4+s3] =	stream.indirect_vreg.scatter [tilespmem:s17], [sflag:$0x2], $0x80, v3, vm0, $0xb8;
	[tilespmem:$0x18100] =	vst v63  }
0x113: {  	s16 =	simm.s32 $0xE100  }
0x114: {  	[hbm4b:s7+s3] =	stream.indirect_vreg.scatter [tilespmem:s16], [sflag:$0x2], $0x80, v3, vm0, $0xb8;
	[tilespmem:$0x18100] =	vst v63  }
0x115: {  	s17 =	simm.s32 $0xE900  }
0x116: {  	[hbm4b:s8+s3] =	stream.indirect_vreg.scatter [tilespmem:s17], [sflag:$0x2], $0x80, v3, vm0, $0xb8;
	[tilespmem:$0x18100] =	vst v63  }
0x117: {  	v3 =	vld [tilespmem:$0xD0];
	_ =	sdelay $0x4  }
0x118: {  	v61 =	vshrl.u32 v3, $0x3  }
0x119: {  	v4 =	vmul.u32 $0x30, v61  }
0x11a: {  	v3 =	vand.u32 $0x7, v3  }
0x11b: {  	v3 =	vor.u32 v3, v4  }
0x11c: {  	v4 =	vperm.xlane v3, v0;
	_ =	sdelay $0x1  }
0x11d: {  	v4 =	vadd.s32 v1, v4;
	_ =	sdelay $0x3  }
0x11e: {  	s16 =	simm.s32 $0xF100;
	v3 =	vperm.xlane v3, v2  }
0x11f: {  	[hbm4b:s4+s3] =	stream.indirect_vreg.scatter [tilespmem:s16], [sflag:$0x2], $0x80, v4, vm0, $0xb8;
	[tilespmem:$0x18100] =	vst v63  }
0x120: {  	s17 =	simm.s32 $0xF900;
	v3 =	vadd.s32 v1, v3  }
0x121: {  	[hbm4b:s7+s3] =	stream.indirect_vreg.scatter [tilespmem:s17], [sflag:$0x2], $0x80, v4, vm0, $0xb8;
	[tilespmem:$0x18100] =	vst v63  }
0x122: {  	s16 =	simm.s32 $0x10100  }
0x123: {  	[hbm4b:s8+s3] =	stream.indirect_vreg.scatter [tilespmem:s16], [sflag:$0x2], $0x80, v4, vm0, $0xb8;
	[tilespmem:$0x18100] =	vst v63  }
0x124: {  	s17 =	simm.s32 $0x10900  }
0x125: {  	[hbm4b:s4+s3] =	stream.indirect_vreg.scatter [tilespmem:s17], [sflag:$0x2], $0x80, v3, vm0, $0xb8;
	[tilespmem:$0x18100] =	vst v63  }
0x126: {  	s16 =	simm.s32 $0x11100  }
0x127: {  	[hbm4b:s7+s3] =	stream.indirect_vreg.scatter [tilespmem:s16], [sflag:$0x2], $0x80, v3, vm0, $0xb8;
	[tilespmem:$0x18100] =	vst v63  }
0x128: {  	s17 =	simm.s32 $0x11900  }
0x129: {  	[hbm4b:s8+s3] =	stream.indirect_vreg.scatter [tilespmem:s17], [sflag:$0x2], $0x80, v3, vm0, $0xb8;
	[tilespmem:$0x18100] =	vst v63  }
0x12a: {  	v3 =	vld [tilespmem:$0xE0];
	_ =	sdelay $0x4  }
0x12b: {  	v62 =	vshrl.u32 v3, $0x3  }
0x12c: {  	v4 =	vmul.u32 $0x30, v62  }
0x12d: {  	v3 =	vand.u32 $0x7, v3  }
0x12e: {  	v3 =	vor.u32 v3, v4  }
0x12f: {  	v4 =	vperm.xlane v3, v0;
	_ =	sdelay $0x1  }
0x130: {  	v4 =	vadd.s32 v1, v4;
	_ =	sdelay $0x3  }
0x131: {  	s16 =	simm.s32 $0x12100;
	v3 =	vperm.xlane v3, v2  }
0x132: {  	[hbm4b:s4+s3] =	stream.indirect_vreg.scatter [tilespmem:s16], [sflag:$0x2], $0x80, v4, vm0, $0xb8;
	[tilespmem:$0x18100] =	vst v63  }
0x133: {  	s17 =	simm.s32 $0x12900;
	v3 =	vadd.s32 v1, v3  }
0x134: {  	[hbm4b:s7+s3] =	stream.indirect_vreg.scatter [tilespmem:s17], [sflag:$0x2], $0x80, v4, vm0, $0xb8;
	[tilespmem:$0x18100] =	vst v63  }
0x135: {  	s16 =	simm.s32 $0x13100  }
0x136: {  	[hbm4b:s8+s3] =	stream.indirect_vreg.scatter [tilespmem:s16], [sflag:$0x2], $0x80, v4, vm0, $0xb8;
	[tilespmem:$0x18100] =	vst v63  }
0x137: {  	s17 =	simm.s32 $0x13900  }
0x138: {  	[hbm4b:s4+s3] =	stream.indirect_vreg.scatter [tilespmem:s17], [sflag:$0x2], $0x80, v3, vm0, $0xb8;
	[tilespmem:$0x18100] =	vst v63  }
0x139: {  	s16 =	simm.s32 $0x14100  }
0x13a: {  	[hbm4b:s7+s3] =	stream.indirect_vreg.scatter [tilespmem:s16], [sflag:$0x2], $0x80, v3, vm0, $0xb8;
	[tilespmem:$0x18100] =	vst v63  }
0x13b: {  	s17 =	simm.s32 $0x14900  }
0x13c: {  	[hbm4b:s8+s3] =	stream.indirect_vreg.scatter [tilespmem:s17], [sflag:$0x2], $0x80, v3, vm0, $0xb8;
	[tilespmem:$0x18100] =	vst v63  }
0x13d: {  	v3 =	vld [tilespmem:$0xF0];
	_ =	sdelay $0x4  }
0x13e: {  	v63 =	vshrl.u32 v3, $0x3  }
0x13f: {  	v4 =	vmul.u32 $0x30, v63  }
0x140: {  	v3 =	vand.u32 $0x7, v3  }
0x141: {  	v3 =	vor.u32 v3, v4  }
0x142: {  	v4 =	vperm.xlane v3, v0;
	_ =	sdelay $0x1  }
0x143: {  	v4 =	vadd.s32 v1, v4;
	_ =	sdelay $0x3  }
0x144: {  	s16 =	simm.s32 $0x15100;
	v3 =	vperm.xlane v3, v2  }
0x145: {  	[hbm4b:s4+s3] =	stream.indirect_vreg.scatter [tilespmem:s16], [sflag:$0x2], $0x80, v4, vm0, $0xb8;
	[tilespmem:$0x18100] =	vst v63  }
0x146: {  	s17 =	simm.s32 $0x15900;
	v3 =	vadd.s32 v1, v3  }
0x147: {  	[hbm4b:s7+s3] =	stream.indirect_vreg.scatter [tilespmem:s17], [sflag:$0x2], $0x80, v4, vm0, $0xb8;
	[tilespmem:$0x18100] =	vst v63  }
0x148: {  	s16 =	simm.s32 $0x16100  }
0x149: {  	[hbm4b:s8+s3] =	stream.indirect_vreg.scatter [tilespmem:s16], [sflag:$0x2], $0x80, v4, vm0, $0xb8;
	[tilespmem:$0x18100] =	vst v63  }
0x14a: {  	s17 =	simm.s32 $0x16900  }
0x14b: {  	[hbm4b:s4+s3] =	stream.indirect_vreg.scatter [tilespmem:s17], [sflag:$0x2], $0x80, v3, vm0, $0xb8;
	[tilespmem:$0x18100] =	vst v63  }
0x14c: {  	p0 =	sne.s32 s9, $0x1;
	s16 =	simm.s32 $0x17100  }
0x14d: {  	[hbm4b:s7+s3] =	stream.indirect_vreg.scatter [tilespmem:s16], [sflag:$0x2], $0x80, v3, vm0, $0xb8;
	[tilespmem:$0x18100] =	vst v63  }
.Ltmp0:
0x14e: {  	s17 =	simm.s32 $0x17900;
	(pc) =	sbr.rel @p0 .LBB2_1-.Ltmp0, $4  }
0x14f: {  	[hbm4b:s8+s3] =	stream.indirect_vreg.scatter [tilespmem:s17], [sflag:$0x2], $0x80, v3, vm0, $0xb8;
	[tilespmem:$0x18100] =	vst v63  }
0x150: {  	_ =	swait.ge [sflag:s10], $0x18000  }
0x151: {  	[sflag:s10] =	ssyncset.done $0x0  }
0x152: {  	s9 =	sadd.s32 $0xFFFFFFFF, s9;
	[sflag:s10] =	ssyncadd.s32 $0xFFFE8000  }
0x153: {  	_ =	sfence.sel $0x180000  }
0x154: {  	[bflag:$0x0] =	sbarrier.arrive $0xFFFF  }
0x155: {  	_ =	strace $0x90000047  }
0x156: {  	s0 =	stileid.u32;
	[bflag:$0x2] =	sbarrier.arrive $0xFFFF  }
0x157: {  	p0 =	sne.s32 s0, $0x0;
	s0 =	rddreg [dreg:$0x3]  }
0x158: {  	s0 =	sadd.s32 @!p0 $0x100000, s0  }
0x159: {  	[sflag:s0] =	ssyncadd.tile.s32 @!p0 $0x1;
	_ =	shalt  }
.Lfunc_end2:
_tile_overlayer_lowered:
.L_overlay_start_2:
0x15a: {  	(tag) =	ssettag $0x2  }
0x15b: {  	s0 =	rddreg [dreg:$0x0];
	s2 =	stileid.u32  }
0x15c: {  	s1 =	rddreg [dreg:$0x1];
	p0 =	sne.s32 s2, $0x0  }
0x15d: {  	s3 =	rddreg [dreg:$0x2];
	[bflag:$0x3] =	sbarrier.arrive $0xFFFF;
	s2 =	simm.s32 @!p0 $0x1C02  }
0x15e: {  	[timem:s3], [sflag:s2] =	dma.local @!p0 [hbm:s0], s1  }
0x15f: {  	s0 =	simm.s32 @!p0 $0x2  }
0x160: {  	_ =	swait.ge @!p0 [sflag:s0], s1  }
0x161: {  	s1 =	ssub.s32 @!p0 $0x0, s1;
	[sflag:s0] =	ssyncset.done @!p0 $0x0  }
0x162: {  	[sflag:s0] =	ssyncadd.s32 @!p0 s1  }
0x163: {  	[bflag:$0x3] =	sbarrier.arrive $0xFFFF  }
0x164: {  	_ =	shalt  }

</sc_bundles>
